<compile_context>
chip_gen: v7x
topology: tpu7x:2x2x1
jax: 0.10.2.dev20260603
libtpu: 0.0.44.dev20260713+nightly
codegen_flags: <defaults>
</compile_context>

<pallas_src>
import functools

import jax
import jax.numpy as jnp
from jax import lax
from jax.experimental import pallas as pl
from jax.experimental.pallas import tpu as pltpu
from jax.experimental.pallas import tpu_sc as plsc

_INFO = plsc.get_sparse_core_info()
_NC, _NS, _L = _INFO.num_cores, _INFO.num_subcores, _INFO.num_lanes
_NW = _NC * _NS

_BATCH = 16384
_CHUNK = _BATCH // _NW
_N_VENDORS = 1000000
_VTAB_PAD = 1000448


def _fe_kernel(vidx_hbm, widx_hbm, lc_hbm, vtab_hbm, wtab_hbm, beta_hbm,
               out_hbm, vidx_v, widx_v, lc_v, veff_v, weff_v, beta_v, out_v,
               sem):
    wid = lax.axis_index("s") * _NC + lax.axis_index("c")

    pltpu.sync_copy(vidx_hbm.at[wid], vidx_v)
    pltpu.sync_copy(widx_hbm.at[wid], widx_v)
    gathers = [
        pltpu.async_copy(vtab_hbm.at[vidx_v], veff_v, sem),
        pltpu.async_copy(wtab_hbm.at[widx_v], weff_v, sem),
    ]

    pltpu.sync_copy(lc_hbm.at[wid], lc_v)
    pltpu.sync_copy(beta_hbm, beta_v)
    for g in gathers:
        g.wait()

    b16 = beta_v[...]
    for c in range(_CHUNK // _L):
        sl = pl.ds(c * _L, _L)
        out_v[sl] = lc_v[sl] * b16 + veff_v[sl] + weff_v[sl]

    pltpu.sync_copy(out_v, out_hbm.at[wid])


@jax.jit
def _run(vidx2, widx2, lc2, vtab, wtab, beta16):
    mesh = plsc.VectorSubcoreMesh(core_axis_name="c", subcore_axis_name="s")
    f = functools.partial(
        pl.kernel,
        out_type=jax.ShapeDtypeStruct((_NW, _CHUNK), jnp.float32),
        mesh=mesh,
        scratch_types=[
            pltpu.VMEM((_CHUNK,), jnp.int32),
            pltpu.VMEM((_CHUNK,), jnp.int32),
            pltpu.VMEM((_CHUNK,), jnp.float32),
            pltpu.VMEM((_CHUNK,), jnp.float32),
            pltpu.VMEM((_CHUNK,), jnp.float32),
            pltpu.VMEM((_L,), jnp.float32),
            pltpu.VMEM((_CHUNK,), jnp.float32),
            pltpu.SemaphoreType.DMA,
        ],
    )(_fe_kernel)
    return f(vidx2, widx2, lc2, vtab, wtab, beta16)


def kernel(vendor_ids, week_ids, log_clicks, vendor_fe, week_fe, beta):
    vidx2 = vendor_ids.astype(jnp.int32).reshape(_NW, _CHUNK)
    widx2 = week_ids.astype(jnp.int32).reshape(_NW, _CHUNK)
    lc2 = log_clicks.reshape(_NW, _CHUNK)
    vtab = jnp.pad(vendor_fe, ((0, _VTAB_PAD - _N_VENDORS), (0, 0))).reshape(-1)
    wtab = week_fe.reshape(-1)
    beta16 = jnp.broadcast_to(beta.astype(jnp.float32), (_L,))
    out2 = _run(vidx2, widx2, lc2, vtab, wtab, beta16)
    return out2.reshape(_BATCH)

# --- scband reference (transcript-rebuilt; emitter-appended) ---
"""Pipeline reference for scband-simplified-fixed-effects-net-34179349741775 (READ-ONLY COPY).

The authoritative reference and input builder live on the scoring server;
editing this copy changes nothing except your own understanding.
"""

import jax, jax.numpy as jnp
import numpy as np

N_VENDORS = 1000000
N_WEEKS = 1000
BATCH = 16384

def setup_inputs(seed: int = 0) -> dict:
    key = jax.random.key(seed)
    k1, k2, k3, k4, k5 = jax.random.split(key, 5)
    vendor_ids = jax.random.randint(k1, (BATCH,), 0, N_VENDORS, dtype=jnp.int64 if jax.config.jax_enable_x64 else jnp.int32)
    week_ids = jax.random.randint(k2, (BATCH,), 0, N_WEEKS, dtype=jnp.int64 if jax.config.jax_enable_x64 else jnp.int32)
    log_clicks = jax.random.uniform(k3, (BATCH,), dtype=jnp.float32)
    # learned parameters (init matches nn.init.normal_(std=0.01))
    vendor_fe = 0.01 * jax.random.normal(k4, (N_VENDORS, 1), dtype=jnp.float32)
    week_fe = 0.01 * jax.random.normal(k5, (N_WEEKS, 1), dtype=jnp.float32)
    beta = jnp.array([0.5], dtype=jnp.float32)
    return {
        "vendor_ids": vendor_ids,
        "week_ids": week_ids,
        "log_clicks": log_clicks,
        "vendor_fe": vendor_fe,
        "week_fe": week_fe,
        "beta": beta,
    }

def reference(vendor_ids, week_ids, log_clicks, vendor_fe, week_fe, beta):
    # vendor_effect = self.vendor_fe(vendor_ids).squeeze()
    vendor_effect = jnp.take(vendor_fe, vendor_ids, axis=0).squeeze(-1)
    # week_effect = self.week_fe(week_ids).squeeze()
    week_effect = jnp.take(week_fe, week_ids, axis=0).squeeze(-1)
    prediction = beta * log_clicks + vendor_effect + week_effect
    return prediction

if __name__ == "__main__":
    import jax
    _d = setup_inputs()
    print(jax.jit(kernel)(*tuple(_d.values())))

</pallas_src>

<mosaic_0001>
#map = affine_map<(d0, d1) -> (0, 0)>
#map1 = affine_map<(d0, d1) -> (0)>
module attributes {stable_mosaic.version = 14 : i64} {
  func.func @_fe_kernel(%arg0: i32, %arg1: i32, %arg2: memref<32x512xi32, #tpu.memory_space<hbm>>, %arg3: memref<32x512xi32, #tpu.memory_space<hbm>>, %arg4: memref<32x512xf32, #tpu.memory_space<hbm>>, %arg5: memref<1000448xf32, #tpu.memory_space<hbm>>, %arg6: memref<1000xf32, #tpu.memory_space<hbm>>, %arg7: memref<16xf32, #tpu.memory_space<hbm>>, %arg8: memref<32x512xf32, #tpu.memory_space<hbm>>, %arg9: memref<512xi32, #tpu.memory_space<vmem>>, %arg10: memref<512xi32, #tpu.memory_space<vmem>>, %arg11: memref<512xf32, #tpu.memory_space<vmem>>, %arg12: memref<512xf32, #tpu.memory_space<vmem>>, %arg13: memref<512xf32, #tpu.memory_space<vmem>>, %arg14: memref<16xf32, #tpu.memory_space<vmem>>, %arg15: memref<512xf32, #tpu.memory_space<vmem>>, %arg16: memref<!tpu.dma_semaphore, #tpu.memory_space<semaphore_mem>>) attributes {dimension_semantics = [#tpu.dimension_semantics<core_parallel>, #tpu.dimension_semantics<subcore_parallel>], iteration_bounds = array<i64: 2, 16>, scalar_prefetch = 0 : i64, scratch_operands = 8 : i64, tpu.core_type = #tpu.core_type<sc_vector_subcore>, window_params = [{transform_indices = #map}, {transform_indices = #map}, {transform_indices = #map}, {transform_indices = #map1}, {transform_indices = #map1}, {transform_indices = #map1}, {transform_indices = #map}]} {
    %mul3A = arith.constant 2 : i32
    %mul3A_0 = arith.muli %arg1, %mul3A : i32
    %add3A = arith.addi %mul3A_0, %arg0 : i32
    "tpu.region"() ({
      %run_scoped3A = tpu.sem_alloc : memref<!tpu.dma_semaphore, #tpu.memory_space<semaphore_mem>>
      %dma_start3A_520 = arith.constant 0 : i32
      %dma_start3A_521 = tpu.memref_slice %arg2[%add3A, %dma_start3A_520] : memref<32x512xi32, #tpu.memory_space<hbm>> -> memref<1x512xi32, #tpu.memory_space<hbm>>
      %dma_start3A_522 = tpu.memref_squeeze %dma_start3A_521 : memref<1x512xi32, #tpu.memory_space<hbm>> -> memref<512xi32, #tpu.memory_space<hbm>>
      %dma_start3A_523 = arith.constant 0 : i32
      %dma_start3A_524 = tpu.memref_slice %arg2[%add3A, %dma_start3A_523] : memref<32x512xi32, #tpu.memory_space<hbm>> -> memref<1x512xi32, #tpu.memory_space<hbm>>
      %dma_start3A_525 = tpu.memref_squeeze %dma_start3A_524 : memref<1x512xi32, #tpu.memory_space<hbm>> -> memref<512xi32, #tpu.memory_space<hbm>>
      tpu.enqueue_dma source(%dma_start3A_525 : memref<512xi32, #tpu.memory_space<hbm>>) target(%arg9 : memref<512xi32, #tpu.memory_space<vmem>>) target_semaphore(%run_scoped3A : memref<!tpu.dma_semaphore, #tpu.memory_space<semaphore_mem>>)
      %dma_wait3A_526 = arith.constant 0 : i32
      %dma_wait3A_527 = tpu.memref_slice %arg2[%add3A, %dma_wait3A_526] : memref<32x512xi32, #tpu.memory_space<hbm>> -> memref<1x512xi32, #tpu.memory_space<hbm>>
      %dma_wait3A_528 = tpu.memref_squeeze %dma_wait3A_527 : memref<1x512xi32, #tpu.memory_space<hbm>> -> memref<512xi32, #tpu.memory_space<hbm>>
      %dma_wait3A_529 = arith.constant 0 : i32
      %dma_wait3A_530 = tpu.memref_slice %arg2[%add3A, %dma_wait3A_529] : memref<32x512xi32, #tpu.memory_space<hbm>> -> memref<1x512xi32, #tpu.memory_space<hbm>>
      %dma_wait3A_531 = tpu.memref_squeeze %dma_wait3A_530 : memref<1x512xi32, #tpu.memory_space<hbm>> -> memref<512xi32, #tpu.memory_space<hbm>>
      tpu.wait_dma2 semaphore(%run_scoped3A : memref<!tpu.dma_semaphore, #tpu.memory_space<semaphore_mem>>) src(%dma_wait3A_531 : memref<512xi32, #tpu.memory_space<hbm>>) dst(%arg9 : memref<512xi32, #tpu.memory_space<vmem>>)
      tpu.yield
    }) : () -> ()
    "tpu.region"() ({
      %run_scoped3A = tpu.sem_alloc : memref<!tpu.dma_semaphore, #tpu.memory_space<semaphore_mem>>
      %dma_start3A_520 = arith.constant 0 : i32
      %dma_start3A_521 = tpu.memref_slice %arg3[%add3A, %dma_start3A_520] : memref<32x512xi32, #tpu.memory_space<hbm>> -> memref<1x512xi32, #tpu.memory_space<hbm>>
      %dma_start3A_522 = tpu.memref_squeeze %dma_start3A_521 : memref<1x512xi32, #tpu.memory_space<hbm>> -> memref<512xi32, #tpu.memory_space<hbm>>
      %dma_start3A_523 = arith.constant 0 : i32
      %dma_start3A_524 = tpu.memref_slice %arg3[%add3A, %dma_start3A_523] : memref<32x512xi32, #tpu.memory_space<hbm>> -> memref<1x512xi32, #tpu.memory_space<hbm>>
      %dma_start3A_525 = tpu.memref_squeeze %dma_start3A_524 : memref<1x512xi32, #tpu.memory_space<hbm>> -> memref<512xi32, #tpu.memory_space<hbm>>
      tpu.enqueue_dma source(%dma_start3A_525 : memref<512xi32, #tpu.memory_space<hbm>>) target(%arg10 : memref<512xi32, #tpu.memory_space<vmem>>) target_semaphore(%run_scoped3A : memref<!tpu.dma_semaphore, #tpu.memory_space<semaphore_mem>>)
      %dma_wait3A_526 = arith.constant 0 : i32
      %dma_wait3A_527 = tpu.memref_slice %arg3[%add3A, %dma_wait3A_526] : memref<32x512xi32, #tpu.memory_space<hbm>> -> memref<1x512xi32, #tpu.memory_space<hbm>>
      %dma_wait3A_528 = tpu.memref_squeeze %dma_wait3A_527 : memref<1x512xi32, #tpu.memory_space<hbm>> -> memref<512xi32, #tpu.memory_space<hbm>>
      %dma_wait3A_529 = arith.constant 0 : i32
      %dma_wait3A_530 = tpu.memref_slice %arg3[%add3A, %dma_wait3A_529] : memref<32x512xi32, #tpu.memory_space<hbm>> -> memref<1x512xi32, #tpu.memory_space<hbm>>
      %dma_wait3A_531 = tpu.memref_squeeze %dma_wait3A_530 : memref<1x512xi32, #tpu.memory_space<hbm>> -> memref<512xi32, #tpu.memory_space<hbm>>
      tpu.wait_dma2 semaphore(%run_scoped3A : memref<!tpu.dma_semaphore, #tpu.memory_space<semaphore_mem>>) src(%dma_wait3A_531 : memref<512xi32, #tpu.memory_space<hbm>>) dst(%arg10 : memref<512xi32, #tpu.memory_space<vmem>>)
      tpu.yield
    }) : () -> ()
    %dma_start3A = arith.constant 0 : i32
    %dma_start3A_1 = tpu.memref_slice %arg5[%dma_start3A] : memref<1000448xf32, #tpu.memory_space<hbm>> -> memref<1000448xf32, #tpu.memory_space<hbm>>
    tpu.enqueue_indirect_dma source(%dma_start3A_1 : memref<1000448xf32, #tpu.memory_space<hbm>>) target(%arg12 : memref<512xf32, #tpu.memory_space<vmem>>) offsets(%arg9 : memref<512xi32, #tpu.memory_space<vmem>>) semaphore(%arg16 : memref<!tpu.dma_semaphore, #tpu.memory_space<semaphore_mem>>)
    %dma_start3A_2 = arith.constant 0 : i32
    %dma_start3A_3 = tpu.memref_slice %arg6[%dma_start3A_2] : memref<1000xf32, #tpu.memory_space<hbm>> -> memref<1000xf32, #tpu.memory_space<hbm>>
    tpu.enqueue_indirect_dma source(%dma_start3A_3 : memref<1000xf32, #tpu.memory_space<hbm>>) target(%arg13 : memref<512xf32, #tpu.memory_space<vmem>>) offsets(%arg10 : memref<512xi32, #tpu.memory_space<vmem>>) semaphore(%arg16 : memref<!tpu.dma_semaphore, #tpu.memory_space<semaphore_mem>>)
    "tpu.region"() ({
      %run_scoped3A = tpu.sem_alloc : memref<!tpu.dma_semaphore, #tpu.memory_space<semaphore_mem>>
      %dma_start3A_520 = arith.constant 0 : i32
      %dma_start3A_521 = tpu.memref_slice %arg4[%add3A, %dma_start3A_520] : memref<32x512xf32, #tpu.memory_space<hbm>> -> memref<1x512xf32, #tpu.memory_space<hbm>>
      %dma_start3A_522 = tpu.memref_squeeze %dma_start3A_521 : memref<1x512xf32, #tpu.memory_space<hbm>> -> memref<512xf32, #tpu.memory_space<hbm>>
      %dma_start3A_523 = arith.constant 0 : i32
      %dma_start3A_524 = tpu.memref_slice %arg4[%add3A, %dma_start3A_523] : memref<32x512xf32, #tpu.memory_space<hbm>> -> memref<1x512xf32, #tpu.memory_space<hbm>>
      %dma_start3A_525 = tpu.memref_squeeze %dma_start3A_524 : memref<1x512xf32, #tpu.memory_space<hbm>> -> memref<512xf32, #tpu.memory_space<hbm>>
      tpu.enqueue_dma source(%dma_start3A_525 : memref<512xf32, #tpu.memory_space<hbm>>) target(%arg11 : memref<512xf32, #tpu.memory_space<vmem>>) target_semaphore(%run_scoped3A : memref<!tpu.dma_semaphore, #tpu.memory_space<semaphore_mem>>)
      %dma_wait3A_526 = arith.constant 0 : i32
      %dma_wait3A_527 = tpu.memref_slice %arg4[%add3A, %dma_wait3A_526] : memref<32x512xf32, #tpu.memory_space<hbm>> -> memref<1x512xf32, #tpu.memory_space<hbm>>
      %dma_wait3A_528 = tpu.memref_squeeze %dma_wait3A_527 : memref<1x512xf32, #tpu.memory_space<hbm>> -> memref<512xf32, #tpu.memory_space<hbm>>
      %dma_wait3A_529 = arith.constant 0 : i32
      %dma_wait3A_530 = tpu.memref_slice %arg4[%add3A, %dma_wait3A_529] : memref<32x512xf32, #tpu.memory_space<hbm>> -> memref<1x512xf32, #tpu.memory_space<hbm>>
      %dma_wait3A_531 = tpu.memref_squeeze %dma_wait3A_530 : memref<1x512xf32, #tpu.memory_space<hbm>> -> memref<512xf32, #tpu.memory_space<hbm>>
      tpu.wait_dma2 semaphore(%run_scoped3A : memref<!tpu.dma_semaphore, #tpu.memory_space<semaphore_mem>>) src(%dma_wait3A_531 : memref<512xf32, #tpu.memory_space<hbm>>) dst(%arg11 : memref<512xf32, #tpu.memory_space<vmem>>)
      tpu.yield
    }) : () -> ()
    "tpu.region"() ({
      %run_scoped3A = tpu.sem_alloc : memref<!tpu.dma_semaphore, #tpu.memory_space<semaphore_mem>>
      tpu.enqueue_dma source(%arg7 : memref<16xf32, #tpu.memory_space<hbm>>) target(%arg14 : memref<16xf32, #tpu.memory_space<vmem>>) target_semaphore(%run_scoped3A : memref<!tpu.dma_semaphore, #tpu.memory_space<semaphore_mem>>)
      tpu.wait_dma2 semaphore(%run_scoped3A : memref<!tpu.dma_semaphore, #tpu.memory_space<semaphore_mem>>) src(%arg7 : memref<16xf32, #tpu.memory_space<hbm>>) dst(%arg14 : memref<16xf32, #tpu.memory_space<vmem>>)
      tpu.yield
    }) : () -> ()
    %dma_wait3A = arith.constant 0 : i32
    %dma_wait3A_4 = tpu.memref_slice %arg5[%dma_wait3A] : memref<1000448xf32, #tpu.memory_space<hbm>> -> memref<1000448xf32, #tpu.memory_space<hbm>>
    tpu.wait_indirect_dma semaphore(%arg16 : memref<!tpu.dma_semaphore, #tpu.memory_space<semaphore_mem>>) src(%dma_wait3A_4 : memref<1000448xf32, #tpu.memory_space<hbm>>) dst(%arg12 : memref<512xf32, #tpu.memory_space<vmem>>)
    %dma_wait3A_5 = arith.constant 0 : i32
    %dma_wait3A_6 = tpu.memref_slice %arg6[%dma_wait3A_5] : memref<1000xf32, #tpu.memory_space<hbm>> -> memref<1000xf32, #tpu.memory_space<hbm>>
    tpu.wait_indirect_dma semaphore(%arg16 : memref<!tpu.dma_semaphore, #tpu.memory_space<semaphore_mem>>) src(%dma_wait3A_6 : memref<1000xf32, #tpu.memory_space<hbm>>) dst(%arg13 : memref<512xf32, #tpu.memory_space<vmem>>)
    %get3A = arith.constant 0 : index
    %get3A_7 = tpu.vector_load %arg14[%get3A] {strides = array<i32>} : memref<16xf32, #tpu.memory_space<vmem>>, vector<16xf32>,
    %get3A_8 = vector.shape_cast %get3A_7 : vector<16xf32> to vector<16xf32>
    %get3A_9 = arith.constant 0 : index
    %get3A_10 = tpu.vector_load %arg11[%get3A_9] {strides = array<i32>} : memref<512xf32, #tpu.memory_space<vmem>>, vector<16xf32>,
    %get3A_11 = vector.shape_cast %get3A_10 : vector<16xf32> to vector<16xf32>
    %mul3A_12 = arith.mulf %get3A_11, %get3A_8 : vector<16xf32>
    %get3A_13 = arith.constant 0 : index
    %get3A_14 = tpu.vector_load %arg12[%get3A_13] {strides = array<i32>} : memref<512xf32, #tpu.memory_space<vmem>>, vector<16xf32>,
    %get3A_15 = vector.shape_cast %get3A_14 : vector<16xf32> to vector<16xf32>
    %add3A_16 = arith.addf %mul3A_12, %get3A_15 : vector<16xf32>
    %get3A_17 = arith.constant 0 : index
    %get3A_18 = tpu.vector_load %arg13[%get3A_17] {strides = array<i32>} : memref<512xf32, #tpu.memory_space<vmem>>, vector<16xf32>,
    %get3A_19 = vector.shape_cast %get3A_18 : vector<16xf32> to vector<16xf32>
    %add3A_20 = arith.addf %add3A_16, %get3A_19 : vector<16xf32>
    %swap3A = arith.constant 0 : index
    %swap3A_21 = tpu.vector_load %arg15[%swap3A] {strides = array<i32>} : memref<512xf32, #tpu.memory_space<vmem>>, vector<16xf32>,
    %swap3A_22 = vector.shape_cast %swap3A_21 : vector<16xf32> to vector<16xf32>
    %swap3A_23 = vector.shape_cast %add3A_20 : vector<16xf32> to vector<16xf32>
    tpu.vector_store %arg15[%swap3A], %swap3A_23 {strides = array<i32>} : memref<512xf32, #tpu.memory_space<vmem>>, vector<16xf32>,
    %get3A_24 = arith.constant 16 : index
    %get3A_25 = tpu.vector_load %arg11[%get3A_24] {strides = array<i32>} : memref<512xf32, #tpu.memory_space<vmem>>, vector<16xf32>,
    %get3A_26 = vector.shape_cast %get3A_25 : vector<16xf32> to vector<16xf32>
    %mul3A_27 = arith.mulf %get3A_26, %get3A_8 : vector<16xf32>
    %get3A_28 = arith.constant 16 : index
    %get3A_29 = tpu.vector_load %arg12[%get3A_28] {strides = array<i32>} : memref<512xf32, #tpu.memory_space<vmem>>, vector<16xf32>,
    %get3A_30 = vector.shape_cast %get3A_29 : vector<16xf32> to vector<16xf32>
    %add3A_31 = arith.addf %mul3A_27, %get3A_30 : vector<16xf32>
    %get3A_32 = arith.constant 16 : index
    %get3A_33 = tpu.vector_load %arg13[%get3A_32] {strides = array<i32>} : memref<512xf32, #tpu.memory_space<vmem>>, vector<16xf32>,
    %get3A_34 = vector.shape_cast %get3A_33 : vector<16xf32> to vector<16xf32>
    %add3A_35 = arith.addf %add3A_31, %get3A_34 : vector<16xf32>
    %swap3A_36 = arith.constant 16 : index
    %swap3A_37 = tpu.vector_load %arg15[%swap3A_36] {strides = array<i32>} : memref<512xf32, #tpu.memory_space<vmem>>, vector<16xf32>,
    %swap3A_38 = vector.shape_cast %swap3A_37 : vector<16xf32> to vector<16xf32>
    %swap3A_39 = vector.shape_cast %add3A_35 : vector<16xf32> to vector<16xf32>
    tpu.vector_store %arg15[%swap3A_36], %swap3A_39 {strides = array<i32>} : memref<512xf32, #tpu.memory_space<vmem>>, vector<16xf32>,
    %get3A_40 = arith.constant 32 : index
    %get3A_41 = tpu.vector_load %arg11[%get3A_40] {strides = array<i32>} : memref<512xf32, #tpu.memory_space<vmem>>, vector<16xf32>,
    %get3A_42 = vector.shape_cast %get3A_41 : vector<16xf32> to vector<16xf32>
    %mul3A_43 = arith.mulf %get3A_42, %get3A_8 : vector<16xf32>
    %get3A_44 = arith.constant 32 : index
    %get3A_45 = tpu.vector_load %arg12[%get3A_44] {strides = array<i32>} : memref<512xf32, #tpu.memory_space<vmem>>, vector<16xf32>,
    %get3A_46 = vector.shape_cast %get3A_45 : vector<16xf32> to vector<16xf32>
    %add3A_47 = arith.addf %mul3A_43, %get3A_46 : vector<16xf32>
    %get3A_48 = arith.constant 32 : index
    %get3A_49 = tpu.vector_load %arg13[%get3A_48] {strides = array<i32>} : memref<512xf32, #tpu.memory_space<vmem>>, vector<16xf32>,
    %get3A_50 = vector.shape_cast %get3A_49 : vector<16xf32> to vector<16xf32>
    %add3A_51 = arith.addf %add3A_47, %get3A_50 : vector<16xf32>
    %swap3A_52 = arith.constant 32 : index
    %swap3A_53 = tpu.vector_load %arg15[%swap3A_52] {strides = array<i32>} : memref<512xf32, #tpu.memory_space<vmem>>, vector<16xf32>,
    %swap3A_54 = vector.shape_cast %swap3A_53 : vector<16xf32> to vector<16xf32>
    %swap3A_55 = vector.shape_cast %add3A_51 : vector<16xf32> to vector<16xf32>
    tpu.vector_store %arg15[%swap3A_52], %swap3A_55 {strides = array<i32>} : memref<512xf32, #tpu.memory_space<vmem>>, vector<16xf32>,
    %get3A_56 = arith.constant 48 : index
    %get3A_57 = tpu.vector_load %arg11[%get3A_56] {strides = array<i32>} : memref<512xf32, #tpu.memory_space<vmem>>, vector<16xf32>,
    %get3A_58 = vector.shape_cast %get3A_57 : vector<16xf32> to vector<16xf32>
    %mul3A_59 = arith.mulf %get3A_58, %get3A_8 : vector<16xf32>
    %get3A_60 = arith.constant 48 : index
    %get3A_61 = tpu.vector_load %arg12[%get3A_60] {strides = array<i32>} : memref<512xf32, #tpu.memory_space<vmem>>, vector<16xf32>,
    %get3A_62 = vector.shape_cast %get3A_61 : vector<16xf32> to vector<16xf32>
    %add3A_63 = arith.addf %mul3A_59, %get3A_62 : vector<16xf32>
    %get3A_64 = arith.constant 48 : index
    %get3A_65 = tpu.vector_load %arg13[%get3A_64] {strides = array<i32>} : memref<512xf32, #tpu.memory_space<vmem>>, vector<16xf32>,
    %get3A_66 = vector.shape_cast %get3A_65 : vector<16xf32> to vector<16xf32>
    %add3A_67 = arith.addf %add3A_63, %get3A_66 : vector<16xf32>
    %swap3A_68 = arith.constant 48 : index
    %swap3A_69 = tpu.vector_load %arg15[%swap3A_68] {strides = array<i32>} : memref<512xf32, #tpu.memory_space<vmem>>, vector<16xf32>,
    %swap3A_70 = vector.shape_cast %swap3A_69 : vector<16xf32> to vector<16xf32>
    %swap3A_71 = vector.shape_cast %add3A_67 : vector<16xf32> to vector<16xf32>
    tpu.vector_store %arg15[%swap3A_68], %swap3A_71 {strides = array<i32>} : memref<512xf32, #tpu.memory_space<vmem>>, vector<16xf32>,
    %get3A_72 = arith.constant 64 : index
    %get3A_73 = tpu.vector_load %arg11[%get3A_72] {strides = array<i32>} : memref<512xf32, #tpu.memory_space<vmem>>, vector<16xf32>,
    %get3A_74 = vector.shape_cast %get3A_73 : vector<16xf32> to vector<16xf32>
    %mul3A_75 = arith.mulf %get3A_74, %get3A_8 : vector<16xf32>
    %get3A_76 = arith.constant 64 : index
    %get3A_77 = tpu.vector_load %arg12[%get3A_76] {strides = array<i32>} : memref<512xf32, #tpu.memory_space<vmem>>, vector<16xf32>,
    %get3A_78 = vector.shape_cast %get3A_77 : vector<16xf32> to vector<16xf32>
    %add3A_79 = arith.addf %mul3A_75, %get3A_78 : vector<16xf32>
    %get3A_80 = arith.constant 64 : index
    %get3A_81 = tpu.vector_load %arg13[%get3A_80] {strides = array<i32>} : memref<512xf32, #tpu.memory_space<vmem>>, vector<16xf32>,
    %get3A_82 = vector.shape_cast %get3A_81 : vector<16xf32> to vector<16xf32>
    %add3A_83 = arith.addf %add3A_79, %get3A_82 : vector<16xf32>
    %swap3A_84 = arith.constant 64 : index
    %swap3A_85 = tpu.vector_load %arg15[%swap3A_84] {strides = array<i32>} : memref<512xf32, #tpu.memory_space<vmem>>, vector<16xf32>,
    %swap3A_86 = vector.shape_cast %swap3A_85 : vector<16xf32> to vector<16xf32>
    %swap3A_87 = vector.shape_cast %add3A_83 : vector<16xf32> to vector<16xf32>
    tpu.vector_store %arg15[%swap3A_84], %swap3A_87 {strides = array<i32>} : memref<512xf32, #tpu.memory_space<vmem>>, vector<16xf32>,
    %get3A_88 = arith.constant 80 : index
    %get3A_89 = tpu.vector_load %arg11[%get3A_88] {strides = array<i32>} : memref<512xf32, #tpu.memory_space<vmem>>, vector<16xf32>,
    %get3A_90 = vector.shape_cast %get3A_89 : vector<16xf32> to vector<16xf32>
    %mul3A_91 = arith.mulf %get3A_90, %get3A_8 : vector<16xf32>
    %get3A_92 = arith.constant 80 : index
    %get3A_93 = tpu.vector_load %arg12[%get3A_92] {strides = array<i32>} : memref<512xf32, #tpu.memory_space<vmem>>, vector<16xf32>,
    %get3A_94 = vector.shape_cast %get3A_93 : vector<16xf32> to vector<16xf32>
    %add3A_95 = arith.addf %mul3A_91, %get3A_94 : vector<16xf32>
    %get3A_96 = arith.constant 80 : index
    %get3A_97 = tpu.vector_load %arg13[%get3A_96] {strides = array<i32>} : memref<512xf32, #tpu.memory_space<vmem>>, vector<16xf32>,
    %get3A_98 = vector.shape_cast %get3A_97 : vector<16xf32> to vector<16xf32>
    %add3A_99 = arith.addf %add3A_95, %get3A_98 : vector<16xf32>
    %swap3A_100 = arith.constant 80 : index
    %swap3A_101 = tpu.vector_load %arg15[%swap3A_100] {strides = array<i32>} : memref<512xf32, #tpu.memory_space<vmem>>, vector<16xf32>,
    %swap3A_102 = vector.shape_cast %swap3A_101 : vector<16xf32> to vector<16xf32>
    %swap3A_103 = vector.shape_cast %add3A_99 : vector<16xf32> to vector<16xf32>
    tpu.vector_store %arg15[%swap3A_100], %swap3A_103 {strides = array<i32>} : memref<512xf32, #tpu.memory_space<vmem>>, vector<16xf32>,
    %get3A_104 = arith.constant 96 : index
    %get3A_105 = tpu.vector_load %arg11[%get3A_104] {strides = array<i32>} : memref<512xf32, #tpu.memory_space<vmem>>, vector<16xf32>,
    %get3A_106 = vector.shape_cast %get3A_105 : vector<16xf32> to vector<16xf32>
    %mul3A_107 = arith.mulf %get3A_106, %get3A_8 : vector<16xf32>
    %get3A_108 = arith.constant 96 : index
    %get3A_109 = tpu.vector_load %arg12[%get3A_108] {strides = array<i32>} : memref<512xf32, #tpu.memory_space<vmem>>, vector<16xf32>,
    %get3A_110 = vector.shape_cast %get3A_109 : vector<16xf32> to vector<16xf32>
    %add3A_111 = arith.addf %mul3A_107, %get3A_110 : vector<16xf32>
    %get3A_112 = arith.constant 96 : index
    %get3A_113 = tpu.vector_load %arg13[%get3A_112] {strides = array<i32>} : memref<512xf32, #tpu.memory_space<vmem>>, vector<16xf32>,
    %get3A_114 = vector.shape_cast %get3A_113 : vector<16xf32> to vector<16xf32>
    %add3A_115 = arith.addf %add3A_111, %get3A_114 : vector<16xf32>
    %swap3A_116 = arith.constant 96 : index
    %swap3A_117 = tpu.vector_load %arg15[%swap3A_116] {strides = array<i32>} : memref<512xf32, #tpu.memory_space<vmem>>, vector<16xf32>,
    %swap3A_118 = vector.shape_cast %swap3A_117 : vector<16xf32> to vector<16xf32>
    %swap3A_119 = vector.shape_cast %add3A_115 : vector<16xf32> to vector<16xf32>
    tpu.vector_store %arg15[%swap3A_116], %swap3A_119 {strides = array<i32>} : memref<512xf32, #tpu.memory_space<vmem>>, vector<16xf32>,
    %get3A_120 = arith.constant 112 : index
    %get3A_121 = tpu.vector_load %arg11[%get3A_120] {strides = array<i32>} : memref<512xf32, #tpu.memory_space<vmem>>, vector<16xf32>,
    %get3A_122 = vector.shape_cast %get3A_121 : vector<16xf32> to vector<16xf32>
    %mul3A_123 = arith.mulf %get3A_122, %get3A_8 : vector<16xf32>
    %get3A_124 = arith.constant 112 : index
    %get3A_125 = tpu.vector_load %arg12[%get3A_124] {strides = array<i32>} : memref<512xf32, #tpu.memory_space<vmem>>, vector<16xf32>,
    %get3A_126 = vector.shape_cast %get3A_125 : vector<16xf32> to vector<16xf32>
    %add3A_127 = arith.addf %mul3A_123, %get3A_126 : vector<16xf32>
    %get3A_128 = arith.constant 112 : index
    %get3A_129 = tpu.vector_load %arg13[%get3A_128] {strides = array<i32>} : memref<512xf32, #tpu.memory_space<vmem>>, vector<16xf32>,
    %get3A_130 = vector.shape_cast %get3A_129 : vector<16xf32> to vector<16xf32>
    %add3A_131 = arith.addf %add3A_127, %get3A_130 : vector<16xf32>
    %swap3A_132 = arith.constant 112 : index
    %swap3A_133 = tpu.vector_load %arg15[%swap3A_132] {strides = array<i32>} : memref<512xf32, #tpu.memory_space<vmem>>, vector<16xf32>,
    %swap3A_134 = vector.shape_cast %swap3A_133 : vector<16xf32> to vector<16xf32>
    %swap3A_135 = vector.shape_cast %add3A_131 : vector<16xf32> to vector<16xf32>
    tpu.vector_store %arg15[%swap3A_132], %swap3A_135 {strides = array<i32>} : memref<512xf32, #tpu.memory_space<vmem>>, vector<16xf32>,
    %get3A_136 = arith.constant 128 : index
    %get3A_137 = tpu.vector_load %arg11[%get3A_136] {strides = array<i32>} : memref<512xf32, #tpu.memory_space<vmem>>, vector<16xf32>,
    %get3A_138 = vector.shape_cast %get3A_137 : vector<16xf32> to vector<16xf32>
    %mul3A_139 = arith.mulf %get3A_138, %get3A_8 : vector<16xf32>
    %get3A_140 = arith.constant 128 : index
    %get3A_141 = tpu.vector_load %arg12[%get3A_140] {strides = array<i32>} : memref<512xf32, #tpu.memory_space<vmem>>, vector<16xf32>,
    %get3A_142 = vector.shape_cast %get3A_141 : vector<16xf32> to vector<16xf32>
    %add3A_143 = arith.addf %mul3A_139, %get3A_142 : vector<16xf32>
    %get3A_144 = arith.constant 128 : index
    %get3A_145 = tpu.vector_load %arg13[%get3A_144] {strides = array<i32>} : memref<512xf32, #tpu.memory_space<vmem>>, vector<16xf32>,
    %get3A_146 = vector.shape_cast %get3A_145 : vector<16xf32> to vector<16xf32>
    %add3A_147 = arith.addf %add3A_143, %get3A_146 : vector<16xf32>
    %swap3A_148 = arith.constant 128 : index
    %swap3A_149 = tpu.vector_load %arg15[%swap3A_148] {strides = array<i32>} : memref<512xf32, #tpu.memory_space<vmem>>, vector<16xf32>,
    %swap3A_150 = vector.shape_cast %swap3A_149 : vector<16xf32> to vector<16xf32>
    %swap3A_151 = vector.shape_cast %add3A_147 : vector<16xf32> to vector<16xf32>
    tpu.vector_store %arg15[%swap3A_148], %swap3A_151 {strides = array<i32>} : memref<512xf32, #tpu.memory_space<vmem>>, vector<16xf32>,
    %get3A_152 = arith.constant 144 : index
    %get3A_153 = tpu.vector_load %arg11[%get3A_152] {strides = array<i32>} : memref<512xf32, #tpu.memory_space<vmem>>, vector<16xf32>,
    %get3A_154 = vector.shape_cast %get3A_153 : vector<16xf32> to vector<16xf32>
    %mul3A_155 = arith.mulf %get3A_154, %get3A_8 : vector<16xf32>
    %get3A_156 = arith.constant 144 : index
    %get3A_157 = tpu.vector_load %arg12[%get3A_156] {strides = array<i32>} : memref<512xf32, #tpu.memory_space<vmem>>, vector<16xf32>,
    %get3A_158 = vector.shape_cast %get3A_157 : vector<16xf32> to vector<16xf32>
    %add3A_159 = arith.addf %mul3A_155, %get3A_158 : vector<16xf32>
    %get3A_160 = arith.constant 144 : index
    %get3A_161 = tpu.vector_load %arg13[%get3A_160] {strides = array<i32>} : memref<512xf32, #tpu.memory_space<vmem>>, vector<16xf32>,
    %get3A_162 = vector.shape_cast %get3A_161 : vector<16xf32> to vector<16xf32>
    %add3A_163 = arith.addf %add3A_159, %get3A_162 : vector<16xf32>
    %swap3A_164 = arith.constant 144 : index
    %swap3A_165 = tpu.vector_load %arg15[%swap3A_164] {strides = array<i32>} : memref<512xf32, #tpu.memory_space<vmem>>, vector<16xf32>,
    %swap3A_166 = vector.shape_cast %swap3A_165 : vector<16xf32> to vector<16xf32>
    %swap3A_167 = vector.shape_cast %add3A_163 : vector<16xf32> to vector<16xf32>
    tpu.vector_store %arg15[%swap3A_164], %swap3A_167 {strides = array<i32>} : memref<512xf32, #tpu.memory_space<vmem>>, vector<16xf32>,
    %get3A_168 = arith.constant 160 : index
    %get3A_169 = tpu.vector_load %arg11[%get3A_168] {strides = array<i32>} : memref<512xf32, #tpu.memory_space<vmem>>, vector<16xf32>,
    %get3A_170 = vector.shape_cast %get3A_169 : vector<16xf32> to vector<16xf32>
    %mul3A_171 = arith.mulf %get3A_170, %get3A_8 : vector<16xf32>
    %get3A_172 = arith.constant 160 : index
    %get3A_173 = tpu.vector_load %arg12[%get3A_172] {strides = array<i32>} : memref<512xf32, #tpu.memory_space<vmem>>, vector<16xf32>,
    %get3A_174 = vector.shape_cast %get3A_173 : vector<16xf32> to vector<16xf32>
    %add3A_175 = arith.addf %mul3A_171, %get3A_174 : vector<16xf32>
    %get3A_176 = arith.constant 160 : index
    %get3A_177 = tpu.vector_load %arg13[%get3A_176] {strides = array<i32>} : memref<512xf32, #tpu.memory_space<vmem>>, vector<16xf32>,
    %get3A_178 = vector.shape_cast %get3A_177 : vector<16xf32> to vector<16xf32>
    %add3A_179 = arith.addf %add3A_175, %get3A_178 : vector<16xf32>
    %swap3A_180 = arith.constant 160 : index
    %swap3A_181 = tpu.vector_load %arg15[%swap3A_180] {strides = array<i32>} : memref<512xf32, #tpu.memory_space<vmem>>, vector<16xf32>,
    %swap3A_182 = vector.shape_cast %swap3A_181 : vector<16xf32> to vector<16xf32>
    %swap3A_183 = vector.shape_cast %add3A_179 : vector<16xf32> to vector<16xf32>
    tpu.vector_store %arg15[%swap3A_180], %swap3A_183 {strides = array<i32>} : memref<512xf32, #tpu.memory_space<vmem>>, vector<16xf32>,
    %get3A_184 = arith.constant 176 : index
    %get3A_185 = tpu.vector_load %arg11[%get3A_184] {strides = array<i32>} : memref<512xf32, #tpu.memory_space<vmem>>, vector<16xf32>,
    %get3A_186 = vector.shape_cast %get3A_185 : vector<16xf32> to vector<16xf32>
    %mul3A_187 = arith.mulf %get3A_186, %get3A_8 : vector<16xf32>
    %get3A_188 = arith.constant 176 : index
    %get3A_189 = tpu.vector_load %arg12[%get3A_188] {strides = array<i32>} : memref<512xf32, #tpu.memory_space<vmem>>, vector<16xf32>,
    %get3A_190 = vector.shape_cast %get3A_189 : vector<16xf32> to vector<16xf32>
    %add3A_191 = arith.addf %mul3A_187, %get3A_190 : vector<16xf32>
    %get3A_192 = arith.constant 176 : index
    %get3A_193 = tpu.vector_load %arg13[%get3A_192] {strides = array<i32>} : memref<512xf32, #tpu.memory_space<vmem>>, vector<16xf32>,
    %get3A_194 = vector.shape_cast %get3A_193 : vector<16xf32> to vector<16xf32>
    %add3A_195 = arith.addf %add3A_191, %get3A_194 : vector<16xf32>
    %swap3A_196 = arith.constant 176 : index
    %swap3A_197 = tpu.vector_load %arg15[%swap3A_196] {strides = array<i32>} : memref<512xf32, #tpu.memory_space<vmem>>, vector<16xf32>,
    %swap3A_198 = vector.shape_cast %swap3A_197 : vector<16xf32> to vector<16xf32>
    %swap3A_199 = vector.shape_cast %add3A_195 : vector<16xf32> to vector<16xf32>
    tpu.vector_store %arg15[%swap3A_196], %swap3A_199 {strides = array<i32>} : memref<512xf32, #tpu.memory_space<vmem>>, vector<16xf32>,
    %get3A_200 = arith.constant 192 : index
    %get3A_201 = tpu.vector_load %arg11[%get3A_200] {strides = array<i32>} : memref<512xf32, #tpu.memory_space<vmem>>, vector<16xf32>,
    %get3A_202 = vector.shape_cast %get3A_201 : vector<16xf32> to vector<16xf32>
    %mul3A_203 = arith.mulf %get3A_202, %get3A_8 : vector<16xf32>
    %get3A_204 = arith.constant 192 : index
    %get3A_205 = tpu.vector_load %arg12[%get3A_204] {strides = array<i32>} : memref<512xf32, #tpu.memory_space<vmem>>, vector<16xf32>,
    %get3A_206 = vector.shape_cast %get3A_205 : vector<16xf32> to vector<16xf32>
    %add3A_207 = arith.addf %mul3A_203, %get3A_206 : vector<16xf32>
    %get3A_208 = arith.constant 192 : index
    %get3A_209 = tpu.vector_load %arg13[%get3A_208] {strides = array<i32>} : memref<512xf32, #tpu.memory_space<vmem>>, vector<16xf32>,
    %get3A_210 = vector.shape_cast %get3A_209 : vector<16xf32> to vector<16xf32>
    %add3A_211 = arith.addf %add3A_207, %get3A_210 : vector<16xf32>
    %swap3A_212 = arith.constant 192 : index
    %swap3A_213 = tpu.vector_load %arg15[%swap3A_212] {strides = array<i32>} : memref<512xf32, #tpu.memory_space<vmem>>, vector<16xf32>,
    %swap3A_214 = vector.shape_cast %swap3A_213 : vector<16xf32> to vector<16xf32>
    %swap3A_215 = vector.shape_cast %add3A_211 : vector<16xf32> to vector<16xf32>
    tpu.vector_store %arg15[%swap3A_212], %swap3A_215 {strides = array<i32>} : memref<512xf32, #tpu.memory_space<vmem>>, vector<16xf32>,
    %get3A_216 = arith.constant 208 : index
    %get3A_217 = tpu.vector_load %arg11[%get3A_216] {strides = array<i32>} : memref<512xf32, #tpu.memory_space<vmem>>, vector<16xf32>,
    %get3A_218 = vector.shape_cast %get3A_217 : vector<16xf32> to vector<16xf32>
    %mul3A_219 = arith.mulf %get3A_218, %get3A_8 : vector<16xf32>
    %get3A_220 = arith.constant 208 : index
    %get3A_221 = tpu.vector_load %arg12[%get3A_220] {strides = array<i32>} : memref<512xf32, #tpu.memory_space<vmem>>, vector<16xf32>,
    %get3A_222 = vector.shape_cast %get3A_221 : vector<16xf32> to vector<16xf32>
    %add3A_223 = arith.addf %mul3A_219, %get3A_222 : vector<16xf32>
    %get3A_224 = arith.constant 208 : index
    %get3A_225 = tpu.vector_load %arg13[%get3A_224] {strides = array<i32>} : memref<512xf32, #tpu.memory_space<vmem>>, vector<16xf32>,
    %get3A_226 = vector.shape_cast %get3A_225 : vector<16xf32> to vector<16xf32>
    %add3A_227 = arith.addf %add3A_223, %get3A_226 : vector<16xf32>
    %swap3A_228 = arith.constant 208 : index
    %swap3A_229 = tpu.vector_load %arg15[%swap3A_228] {strides = array<i32>} : memref<512xf32, #tpu.memory_space<vmem>>, vector<16xf32>,
    %swap3A_230 = vector.shape_cast %swap3A_229 : vector<16xf32> to vector<16xf32>
    %swap3A_231 = vector.shape_cast %add3A_227 : vector<16xf32> to vector<16xf32>
    tpu.vector_store %arg15[%swap3A_228], %swap3A_231 {strides = array<i32>} : memref<512xf32, #tpu.memory_space<vmem>>, vector<16xf32>,
    %get3A_232 = arith.constant 224 : index
    %get3A_233 = tpu.vector_load %arg11[%get3A_232] {strides = array<i32>} : memref<512xf32, #tpu.memory_space<vmem>>, vector<16xf32>,
    %get3A_234 = vector.shape_cast %get3A_233 : vector<16xf32> to vector<16xf32>
    %mul3A_235 = arith.mulf %get3A_234, %get3A_8 : vector<16xf32>
    %get3A_236 = arith.constant 224 : index
    %get3A_237 = tpu.vector_load %arg12[%get3A_236] {strides = array<i32>} : memref<512xf32, #tpu.memory_space<vmem>>, vector<16xf32>,
    %get3A_238 = vector.shape_cast %get3A_237 : vector<16xf32> to vector<16xf32>
    %add3A_239 = arith.addf %mul3A_235, %get3A_238 : vector<16xf32>
    %get3A_240 = arith.constant 224 : index
    %get3A_241 = tpu.vector_load %arg13[%get3A_240] {strides = array<i32>} : memref<512xf32, #tpu.memory_space<vmem>>, vector<16xf32>,
    %get3A_242 = vector.shape_cast %get3A_241 : vector<16xf32> to vector<16xf32>
    %add3A_243 = arith.addf %add3A_239, %get3A_242 : vector<16xf32>
    %swap3A_244 = arith.constant 224 : index
    %swap3A_245 = tpu.vector_load %arg15[%swap3A_244] {strides = array<i32>} : memref<512xf32, #tpu.memory_space<vmem>>, vector<16xf32>,
    %swap3A_246 = vector.shape_cast %swap3A_245 : vector<16xf32> to vector<16xf32>
    %swap3A_247 = vector.shape_cast %add3A_243 : vector<16xf32> to vector<16xf32>
    tpu.vector_store %arg15[%swap3A_244], %swap3A_247 {strides = array<i32>} : memref<512xf32, #tpu.memory_space<vmem>>, vector<16xf32>,
    %get3A_248 = arith.constant 240 : index
    %get3A_249 = tpu.vector_load %arg11[%get3A_248] {strides = array<i32>} : memref<512xf32, #tpu.memory_space<vmem>>, vector<16xf32>,
    %get3A_250 = vector.shape_cast %get3A_249 : vector<16xf32> to vector<16xf32>
    %mul3A_251 = arith.mulf %get3A_250, %get3A_8 : vector<16xf32>
    %get3A_252 = arith.constant 240 : index
    %get3A_253 = tpu.vector_load %arg12[%get3A_252] {strides = array<i32>} : memref<512xf32, #tpu.memory_space<vmem>>, vector<16xf32>,
    %get3A_254 = vector.shape_cast %get3A_253 : vector<16xf32> to vector<16xf32>
    %add3A_255 = arith.addf %mul3A_251, %get3A_254 : vector<16xf32>
    %get3A_256 = arith.constant 240 : index
    %get3A_257 = tpu.vector_load %arg13[%get3A_256] {strides = array<i32>} : memref<512xf32, #tpu.memory_space<vmem>>, vector<16xf32>,
    %get3A_258 = vector.shape_cast %get3A_257 : vector<16xf32> to vector<16xf32>
    %add3A_259 = arith.addf %add3A_255, %get3A_258 : vector<16xf32>
    %swap3A_260 = arith.constant 240 : index
    %swap3A_261 = tpu.vector_load %arg15[%swap3A_260] {strides = array<i32>} : memref<512xf32, #tpu.memory_space<vmem>>, vector<16xf32>,
    %swap3A_262 = vector.shape_cast %swap3A_261 : vector<16xf32> to vector<16xf32>
    %swap3A_263 = vector.shape_cast %add3A_259 : vector<16xf32> to vector<16xf32>
    tpu.vector_store %arg15[%swap3A_260], %swap3A_263 {strides = array<i32>} : memref<512xf32, #tpu.memory_space<vmem>>, vector<16xf32>,
    %get3A_264 = arith.constant 256 : index
    %get3A_265 = tpu.vector_load %arg11[%get3A_264] {strides = array<i32>} : memref<512xf32, #tpu.memory_space<vmem>>, vector<16xf32>,
    %get3A_266 = vector.shape_cast %get3A_265 : vector<16xf32> to vector<16xf32>
    %mul3A_267 = arith.mulf %get3A_266, %get3A_8 : vector<16xf32>
    %get3A_268 = arith.constant 256 : index
    %get3A_269 = tpu.vector_load %arg12[%get3A_268] {strides = array<i32>} : memref<512xf32, #tpu.memory_space<vmem>>, vector<16xf32>,
    %get3A_270 = vector.shape_cast %get3A_269 : vector<16xf32> to vector<16xf32>
    %add3A_271 = arith.addf %mul3A_267, %get3A_270 : vector<16xf32>
    %get3A_272 = arith.constant 256 : index
    %get3A_273 = tpu.vector_load %arg13[%get3A_272] {strides = array<i32>} : memref<512xf32, #tpu.memory_space<vmem>>, vector<16xf32>,
    %get3A_274 = vector.shape_cast %get3A_273 : vector<16xf32> to vector<16xf32>
    %add3A_275 = arith.addf %add3A_271, %get3A_274 : vector<16xf32>
    %swap3A_276 = arith.constant 256 : index
    %swap3A_277 = tpu.vector_load %arg15[%swap3A_276] {strides = array<i32>} : memref<512xf32, #tpu.memory_space<vmem>>, vector<16xf32>,
    %swap3A_278 = vector.shape_cast %swap3A_277 : vector<16xf32> to vector<16xf32>
    %swap3A_279 = vector.shape_cast %add3A_275 : vector<16xf32> to vector<16xf32>
    tpu.vector_store %arg15[%swap3A_276], %swap3A_279 {strides = array<i32>} : memref<512xf32, #tpu.memory_space<vmem>>, vector<16xf32>,
    %get3A_280 = arith.constant 272 : index
    %get3A_281 = tpu.vector_load %arg11[%get3A_280] {strides = array<i32>} : memref<512xf32, #tpu.memory_space<vmem>>, vector<16xf32>,
    %get3A_282 = vector.shape_cast %get3A_281 : vector<16xf32> to vector<16xf32>
    %mul3A_283 = arith.mulf %get3A_282, %get3A_8 : vector<16xf32>
    %get3A_284 = arith.constant 272 : index
    %get3A_285 = tpu.vector_load %arg12[%get3A_284] {strides = array<i32>} : memref<512xf32, #tpu.memory_space<vmem>>, vector<16xf32>,
    %get3A_286 = vector.shape_cast %get3A_285 : vector<16xf32> to vector<16xf32>
    %add3A_287 = arith.addf %mul3A_283, %get3A_286 : vector<16xf32>
    %get3A_288 = arith.constant 272 : index
    %get3A_289 = tpu.vector_load %arg13[%get3A_288] {strides = array<i32>} : memref<512xf32, #tpu.memory_space<vmem>>, vector<16xf32>,
    %get3A_290 = vector.shape_cast %get3A_289 : vector<16xf32> to vector<16xf32>
    %add3A_291 = arith.addf %add3A_287, %get3A_290 : vector<16xf32>
    %swap3A_292 = arith.constant 272 : index
    %swap3A_293 = tpu.vector_load %arg15[%swap3A_292] {strides = array<i32>} : memref<512xf32, #tpu.memory_space<vmem>>, vector<16xf32>,
    %swap3A_294 = vector.shape_cast %swap3A_293 : vector<16xf32> to vector<16xf32>
    %swap3A_295 = vector.shape_cast %add3A_291 : vector<16xf32> to vector<16xf32>
    tpu.vector_store %arg15[%swap3A_292], %swap3A_295 {strides = array<i32>} : memref<512xf32, #tpu.memory_space<vmem>>, vector<16xf32>,
    %get3A_296 = arith.constant 288 : index
    %get3A_297 = tpu.vector_load %arg11[%get3A_296] {strides = array<i32>} : memref<512xf32, #tpu.memory_space<vmem>>, vector<16xf32>,
    %get3A_298 = vector.shape_cast %get3A_297 : vector<16xf32> to vector<16xf32>
    %mul3A_299 = arith.mulf %get3A_298, %get3A_8 : vector<16xf32>
    %get3A_300 = arith.constant 288 : index
    %get3A_301 = tpu.vector_load %arg12[%get3A_300] {strides = array<i32>} : memref<512xf32, #tpu.memory_space<vmem>>, vector<16xf32>,
    %get3A_302 = vector.shape_cast %get3A_301 : vector<16xf32> to vector<16xf32>
    %add3A_303 = arith.addf %mul3A_299, %get3A_302 : vector<16xf32>
    %get3A_304 = arith.constant 288 : index
    %get3A_305 = tpu.vector_load %arg13[%get3A_304] {strides = array<i32>} : memref<512xf32, #tpu.memory_space<vmem>>, vector<16xf32>,
    %get3A_306 = vector.shape_cast %get3A_305 : vector<16xf32> to vector<16xf32>
    %add3A_307 = arith.addf %add3A_303, %get3A_306 : vector<16xf32>
    %swap3A_308 = arith.constant 288 : index
    %swap3A_309 = tpu.vector_load %arg15[%swap3A_308] {strides = array<i32>} : memref<512xf32, #tpu.memory_space<vmem>>, vector<16xf32>,
    %swap3A_310 = vector.shape_cast %swap3A_309 : vector<16xf32> to vector<16xf32>
    %swap3A_311 = vector.shape_cast %add3A_307 : vector<16xf32> to vector<16xf32>
    tpu.vector_store %arg15[%swap3A_308], %swap3A_311 {strides = array<i32>} : memref<512xf32, #tpu.memory_space<vmem>>, vector<16xf32>,
    %get3A_312 = arith.constant 304 : index
    %get3A_313 = tpu.vector_load %arg11[%get3A_312] {strides = array<i32>} : memref<512xf32, #tpu.memory_space<vmem>>, vector<16xf32>,
    %get3A_314 = vector.shape_cast %get3A_313 : vector<16xf32> to vector<16xf32>
    %mul3A_315 = arith.mulf %get3A_314, %get3A_8 : vector<16xf32>
    %get3A_316 = arith.constant 304 : index
    %get3A_317 = tpu.vector_load %arg12[%get3A_316] {strides = array<i32>} : memref<512xf32, #tpu.memory_space<vmem>>, vector<16xf32>,
    %get3A_318 = vector.shape_cast %get3A_317 : vector<16xf32> to vector<16xf32>
    %add3A_319 = arith.addf %mul3A_315, %get3A_318 : vector<16xf32>
    %get3A_320 = arith.constant 304 : index
    %get3A_321 = tpu.vector_load %arg13[%get3A_320] {strides = array<i32>} : memref<512xf32, #tpu.memory_space<vmem>>, vector<16xf32>,
    %get3A_322 = vector.shape_cast %get3A_321 : vector<16xf32> to vector<16xf32>
    %add3A_323 = arith.addf %add3A_319, %get3A_322 : vector<16xf32>
    %swap3A_324 = arith.constant 304 : index
    %swap3A_325 = tpu.vector_load %arg15[%swap3A_324] {strides = array<i32>} : memref<512xf32, #tpu.memory_space<vmem>>, vector<16xf32>,
    %swap3A_326 = vector.shape_cast %swap3A_325 : vector<16xf32> to vector<16xf32>
    %swap3A_327 = vector.shape_cast %add3A_323 : vector<16xf32> to vector<16xf32>
    tpu.vector_store %arg15[%swap3A_324], %swap3A_327 {strides = array<i32>} : memref<512xf32, #tpu.memory_space<vmem>>, vector<16xf32>,
    %get3A_328 = arith.constant 320 : index
    %get3A_329 = tpu.vector_load %arg11[%get3A_328] {strides = array<i32>} : memref<512xf32, #tpu.memory_space<vmem>>, vector<16xf32>,
    %get3A_330 = vector.shape_cast %get3A_329 : vector<16xf32> to vector<16xf32>
    %mul3A_331 = arith.mulf %get3A_330, %get3A_8 : vector<16xf32>
    %get3A_332 = arith.constant 320 : index
    %get3A_333 = tpu.vector_load %arg12[%get3A_332] {strides = array<i32>} : memref<512xf32, #tpu.memory_space<vmem>>, vector<16xf32>,
    %get3A_334 = vector.shape_cast %get3A_333 : vector<16xf32> to vector<16xf32>
    %add3A_335 = arith.addf %mul3A_331, %get3A_334 : vector<16xf32>
    %get3A_336 = arith.constant 320 : index
    %get3A_337 = tpu.vector_load %arg13[%get3A_336] {strides = array<i32>} : memref<512xf32, #tpu.memory_space<vmem>>, vector<16xf32>,
    %get3A_338 = vector.shape_cast %get3A_337 : vector<16xf32> to vector<16xf32>
    %add3A_339 = arith.addf %add3A_335, %get3A_338 : vector<16xf32>
    %swap3A_340 = arith.constant 320 : index
    %swap3A_341 = tpu.vector_load %arg15[%swap3A_340] {strides = array<i32>} : memref<512xf32, #tpu.memory_space<vmem>>, vector<16xf32>,
    %swap3A_342 = vector.shape_cast %swap3A_341 : vector<16xf32> to vector<16xf32>
    %swap3A_343 = vector.shape_cast %add3A_339 : vector<16xf32> to vector<16xf32>
    tpu.vector_store %arg15[%swap3A_340], %swap3A_343 {strides = array<i32>} : memref<512xf32, #tpu.memory_space<vmem>>, vector<16xf32>,
    %get3A_344 = arith.constant 336 : index
    %get3A_345 = tpu.vector_load %arg11[%get3A_344] {strides = array<i32>} : memref<512xf32, #tpu.memory_space<vmem>>, vector<16xf32>,
    %get3A_346 = vector.shape_cast %get3A_345 : vector<16xf32> to vector<16xf32>
    %mul3A_347 = arith.mulf %get3A_346, %get3A_8 : vector<16xf32>
    %get3A_348 = arith.constant 336 : index
    %get3A_349 = tpu.vector_load %arg12[%get3A_348] {strides = array<i32>} : memref<512xf32, #tpu.memory_space<vmem>>, vector<16xf32>,
    %get3A_350 = vector.shape_cast %get3A_349 : vector<16xf32> to vector<16xf32>
    %add3A_351 = arith.addf %mul3A_347, %get3A_350 : vector<16xf32>
    %get3A_352 = arith.constant 336 : index
    %get3A_353 = tpu.vector_load %arg13[%get3A_352] {strides = array<i32>} : memref<512xf32, #tpu.memory_space<vmem>>, vector<16xf32>,
    %get3A_354 = vector.shape_cast %get3A_353 : vector<16xf32> to vector<16xf32>
    %add3A_355 = arith.addf %add3A_351, %get3A_354 : vector<16xf32>
    %swap3A_356 = arith.constant 336 : index
    %swap3A_357 = tpu.vector_load %arg15[%swap3A_356] {strides = array<i32>} : memref<512xf32, #tpu.memory_space<vmem>>, vector<16xf32>,
    %swap3A_358 = vector.shape_cast %swap3A_357 : vector<16xf32> to vector<16xf32>
    %swap3A_359 = vector.shape_cast %add3A_355 : vector<16xf32> to vector<16xf32>
    tpu.vector_store %arg15[%swap3A_356], %swap3A_359 {strides = array<i32>} : memref<512xf32, #tpu.memory_space<vmem>>, vector<16xf32>,
    %get3A_360 = arith.constant 352 : index
    %get3A_361 = tpu.vector_load %arg11[%get3A_360] {strides = array<i32>} : memref<512xf32, #tpu.memory_space<vmem>>, vector<16xf32>,
    %get3A_362 = vector.shape_cast %get3A_361 : vector<16xf32> to vector<16xf32>
    %mul3A_363 = arith.mulf %get3A_362, %get3A_8 : vector<16xf32>
    %get3A_364 = arith.constant 352 : index
    %get3A_365 = tpu.vector_load %arg12[%get3A_364] {strides = array<i32>} : memref<512xf32, #tpu.memory_space<vmem>>, vector<16xf32>,
    %get3A_366 = vector.shape_cast %get3A_365 : vector<16xf32> to vector<16xf32>
    %add3A_367 = arith.addf %mul3A_363, %get3A_366 : vector<16xf32>
    %get3A_368 = arith.constant 352 : index
    %get3A_369 = tpu.vector_load %arg13[%get3A_368] {strides = array<i32>} : memref<512xf32, #tpu.memory_space<vmem>>, vector<16xf32>,
    %get3A_370 = vector.shape_cast %get3A_369 : vector<16xf32> to vector<16xf32>
    %add3A_371 = arith.addf %add3A_367, %get3A_370 : vector<16xf32>
    %swap3A_372 = arith.constant 352 : index
    %swap3A_373 = tpu.vector_load %arg15[%swap3A_372] {strides = array<i32>} : memref<512xf32, #tpu.memory_space<vmem>>, vector<16xf32>,
    %swap3A_374 = vector.shape_cast %swap3A_373 : vector<16xf32> to vector<16xf32>
    %swap3A_375 = vector.shape_cast %add3A_371 : vector<16xf32> to vector<16xf32>
    tpu.vector_store %arg15[%swap3A_372], %swap3A_375 {strides = array<i32>} : memref<512xf32, #tpu.memory_space<vmem>>, vector<16xf32>,
    %get3A_376 = arith.constant 368 : index
    %get3A_377 = tpu.vector_load %arg11[%get3A_376] {strides = array<i32>} : memref<512xf32, #tpu.memory_space<vmem>>, vector<16xf32>,
    %get3A_378 = vector.shape_cast %get3A_377 : vector<16xf32> to vector<16xf32>
    %mul3A_379 = arith.mulf %get3A_378, %get3A_8 : vector<16xf32>
    %get3A_380 = arith.constant 368 : index
    %get3A_381 = tpu.vector_load %arg12[%get3A_380] {strides = array<i32>} : memref<512xf32, #tpu.memory_space<vmem>>, vector<16xf32>,
    %get3A_382 = vector.shape_cast %get3A_381 : vector<16xf32> to vector<16xf32>
    %add3A_383 = arith.addf %mul3A_379, %get3A_382 : vector<16xf32>
    %get3A_384 = arith.constant 368 : index
    %get3A_385 = tpu.vector_load %arg13[%get3A_384] {strides = array<i32>} : memref<512xf32, #tpu.memory_space<vmem>>, vector<16xf32>,
    %get3A_386 = vector.shape_cast %get3A_385 : vector<16xf32> to vector<16xf32>
    %add3A_387 = arith.addf %add3A_383, %get3A_386 : vector<16xf32>
    %swap3A_388 = arith.constant 368 : index
    %swap3A_389 = tpu.vector_load %arg15[%swap3A_388] {strides = array<i32>} : memref<512xf32, #tpu.memory_space<vmem>>, vector<16xf32>,
    %swap3A_390 = vector.shape_cast %swap3A_389 : vector<16xf32> to vector<16xf32>
    %swap3A_391 = vector.shape_cast %add3A_387 : vector<16xf32> to vector<16xf32>
    tpu.vector_store %arg15[%swap3A_388], %swap3A_391 {strides = array<i32>} : memref<512xf32, #tpu.memory_space<vmem>>, vector<16xf32>,
    %get3A_392 = arith.constant 384 : index
    %get3A_393 = tpu.vector_load %arg11[%get3A_392] {strides = array<i32>} : memref<512xf32, #tpu.memory_space<vmem>>, vector<16xf32>,
    %get3A_394 = vector.shape_cast %get3A_393 : vector<16xf32> to vector<16xf32>
    %mul3A_395 = arith.mulf %get3A_394, %get3A_8 : vector<16xf32>
    %get3A_396 = arith.constant 384 : index
    %get3A_397 = tpu.vector_load %arg12[%get3A_396] {strides = array<i32>} : memref<512xf32, #tpu.memory_space<vmem>>, vector<16xf32>,
    %get3A_398 = vector.shape_cast %get3A_397 : vector<16xf32> to vector<16xf32>
    %add3A_399 = arith.addf %mul3A_395, %get3A_398 : vector<16xf32>
    %get3A_400 = arith.constant 384 : index
    %get3A_401 = tpu.vector_load %arg13[%get3A_400] {strides = array<i32>} : memref<512xf32, #tpu.memory_space<vmem>>, vector<16xf32>,
    %get3A_402 = vector.shape_cast %get3A_401 : vector<16xf32> to vector<16xf32>
    %add3A_403 = arith.addf %add3A_399, %get3A_402 : vector<16xf32>
    %swap3A_404 = arith.constant 384 : index
    %swap3A_405 = tpu.vector_load %arg15[%swap3A_404] {strides = array<i32>} : memref<512xf32, #tpu.memory_space<vmem>>, vector<16xf32>,
    %swap3A_406 = vector.shape_cast %swap3A_405 : vector<16xf32> to vector<16xf32>
    %swap3A_407 = vector.shape_cast %add3A_403 : vector<16xf32> to vector<16xf32>
    tpu.vector_store %arg15[%swap3A_404], %swap3A_407 {strides = array<i32>} : memref<512xf32, #tpu.memory_space<vmem>>, vector<16xf32>,
    %get3A_408 = arith.constant 400 : index
    %get3A_409 = tpu.vector_load %arg11[%get3A_408] {strides = array<i32>} : memref<512xf32, #tpu.memory_space<vmem>>, vector<16xf32>,
    %get3A_410 = vector.shape_cast %get3A_409 : vector<16xf32> to vector<16xf32>
    %mul3A_411 = arith.mulf %get3A_410, %get3A_8 : vector<16xf32>
    %get3A_412 = arith.constant 400 : index
    %get3A_413 = tpu.vector_load %arg12[%get3A_412] {strides = array<i32>} : memref<512xf32, #tpu.memory_space<vmem>>, vector<16xf32>,
    %get3A_414 = vector.shape_cast %get3A_413 : vector<16xf32> to vector<16xf32>
    %add3A_415 = arith.addf %mul3A_411, %get3A_414 : vector<16xf32>
    %get3A_416 = arith.constant 400 : index
    %get3A_417 = tpu.vector_load %arg13[%get3A_416] {strides = array<i32>} : memref<512xf32, #tpu.memory_space<vmem>>, vector<16xf32>,
    %get3A_418 = vector.shape_cast %get3A_417 : vector<16xf32> to vector<16xf32>
    %add3A_419 = arith.addf %add3A_415, %get3A_418 : vector<16xf32>
    %swap3A_420 = arith.constant 400 : index
    %swap3A_421 = tpu.vector_load %arg15[%swap3A_420] {strides = array<i32>} : memref<512xf32, #tpu.memory_space<vmem>>, vector<16xf32>,
    %swap3A_422 = vector.shape_cast %swap3A_421 : vector<16xf32> to vector<16xf32>
    %swap3A_423 = vector.shape_cast %add3A_419 : vector<16xf32> to vector<16xf32>
    tpu.vector_store %arg15[%swap3A_420], %swap3A_423 {strides = array<i32>} : memref<512xf32, #tpu.memory_space<vmem>>, vector<16xf32>,
    %get3A_424 = arith.constant 416 : index
    %get3A_425 = tpu.vector_load %arg11[%get3A_424] {strides = array<i32>} : memref<512xf32, #tpu.memory_space<vmem>>, vector<16xf32>,
    %get3A_426 = vector.shape_cast %get3A_425 : vector<16xf32> to vector<16xf32>
    %mul3A_427 = arith.mulf %get3A_426, %get3A_8 : vector<16xf32>
    %get3A_428 = arith.constant 416 : index
    %get3A_429 = tpu.vector_load %arg12[%get3A_428] {strides = array<i32>} : memref<512xf32, #tpu.memory_space<vmem>>, vector<16xf32>,
    %get3A_430 = vector.shape_cast %get3A_429 : vector<16xf32> to vector<16xf32>
    %add3A_431 = arith.addf %mul3A_427, %get3A_430 : vector<16xf32>
    %get3A_432 = arith.constant 416 : index
    %get3A_433 = tpu.vector_load %arg13[%get3A_432] {strides = array<i32>} : memref<512xf32, #tpu.memory_space<vmem>>, vector<16xf32>,
    %get3A_434 = vector.shape_cast %get3A_433 : vector<16xf32> to vector<16xf32>
    %add3A_435 = arith.addf %add3A_431, %get3A_434 : vector<16xf32>
    %swap3A_436 = arith.constant 416 : index
    %swap3A_437 = tpu.vector_load %arg15[%swap3A_436] {strides = array<i32>} : memref<512xf32, #tpu.memory_space<vmem>>, vector<16xf32>,
    %swap3A_438 = vector.shape_cast %swap3A_437 : vector<16xf32> to vector<16xf32>
    %swap3A_439 = vector.shape_cast %add3A_435 : vector<16xf32> to vector<16xf32>
    tpu.vector_store %arg15[%swap3A_436], %swap3A_439 {strides = array<i32>} : memref<512xf32, #tpu.memory_space<vmem>>, vector<16xf32>,
    %get3A_440 = arith.constant 432 : index
    %get3A_441 = tpu.vector_load %arg11[%get3A_440] {strides = array<i32>} : memref<512xf32, #tpu.memory_space<vmem>>, vector<16xf32>,
    %get3A_442 = vector.shape_cast %get3A_441 : vector<16xf32> to vector<16xf32>
    %mul3A_443 = arith.mulf %get3A_442, %get3A_8 : vector<16xf32>
    %get3A_444 = arith.constant 432 : index
    %get3A_445 = tpu.vector_load %arg12[%get3A_444] {strides = array<i32>} : memref<512xf32, #tpu.memory_space<vmem>>, vector<16xf32>,
    %get3A_446 = vector.shape_cast %get3A_445 : vector<16xf32> to vector<16xf32>
    %add3A_447 = arith.addf %mul3A_443, %get3A_446 : vector<16xf32>
    %get3A_448 = arith.constant 432 : index
    %get3A_449 = tpu.vector_load %arg13[%get3A_448] {strides = array<i32>} : memref<512xf32, #tpu.memory_space<vmem>>, vector<16xf32>,
    %get3A_450 = vector.shape_cast %get3A_449 : vector<16xf32> to vector<16xf32>
    %add3A_451 = arith.addf %add3A_447, %get3A_450 : vector<16xf32>
    %swap3A_452 = arith.constant 432 : index
    %swap3A_453 = tpu.vector_load %arg15[%swap3A_452] {strides = array<i32>} : memref<512xf32, #tpu.memory_space<vmem>>, vector<16xf32>,
    %swap3A_454 = vector.shape_cast %swap3A_453 : vector<16xf32> to vector<16xf32>
    %swap3A_455 = vector.shape_cast %add3A_451 : vector<16xf32> to vector<16xf32>
    tpu.vector_store %arg15[%swap3A_452], %swap3A_455 {strides = array<i32>} : memref<512xf32, #tpu.memory_space<vmem>>, vector<16xf32>,
    %get3A_456 = arith.constant 448 : index
    %get3A_457 = tpu.vector_load %arg11[%get3A_456] {strides = array<i32>} : memref<512xf32, #tpu.memory_space<vmem>>, vector<16xf32>,
    %get3A_458 = vector.shape_cast %get3A_457 : vector<16xf32> to vector<16xf32>
    %mul3A_459 = arith.mulf %get3A_458, %get3A_8 : vector<16xf32>
    %get3A_460 = arith.constant 448 : index
    %get3A_461 = tpu.vector_load %arg12[%get3A_460] {strides = array<i32>} : memref<512xf32, #tpu.memory_space<vmem>>, vector<16xf32>,
    %get3A_462 = vector.shape_cast %get3A_461 : vector<16xf32> to vector<16xf32>
    %add3A_463 = arith.addf %mul3A_459, %get3A_462 : vector<16xf32>
    %get3A_464 = arith.constant 448 : index
    %get3A_465 = tpu.vector_load %arg13[%get3A_464] {strides = array<i32>} : memref<512xf32, #tpu.memory_space<vmem>>, vector<16xf32>,
    %get3A_466 = vector.shape_cast %get3A_465 : vector<16xf32> to vector<16xf32>
    %add3A_467 = arith.addf %add3A_463, %get3A_466 : vector<16xf32>
    %swap3A_468 = arith.constant 448 : index
    %swap3A_469 = tpu.vector_load %arg15[%swap3A_468] {strides = array<i32>} : memref<512xf32, #tpu.memory_space<vmem>>, vector<16xf32>,
    %swap3A_470 = vector.shape_cast %swap3A_469 : vector<16xf32> to vector<16xf32>
    %swap3A_471 = vector.shape_cast %add3A_467 : vector<16xf32> to vector<16xf32>
    tpu.vector_store %arg15[%swap3A_468], %swap3A_471 {strides = array<i32>} : memref<512xf32, #tpu.memory_space<vmem>>, vector<16xf32>,
    %get3A_472 = arith.constant 464 : index
    %get3A_473 = tpu.vector_load %arg11[%get3A_472] {strides = array<i32>} : memref<512xf32, #tpu.memory_space<vmem>>, vector<16xf32>,
    %get3A_474 = vector.shape_cast %get3A_473 : vector<16xf32> to vector<16xf32>
    %mul3A_475 = arith.mulf %get3A_474, %get3A_8 : vector<16xf32>
    %get3A_476 = arith.constant 464 : index
    %get3A_477 = tpu.vector_load %arg12[%get3A_476] {strides = array<i32>} : memref<512xf32, #tpu.memory_space<vmem>>, vector<16xf32>,
    %get3A_478 = vector.shape_cast %get3A_477 : vector<16xf32> to vector<16xf32>
    %add3A_479 = arith.addf %mul3A_475, %get3A_478 : vector<16xf32>
    %get3A_480 = arith.constant 464 : index
    %get3A_481 = tpu.vector_load %arg13[%get3A_480] {strides = array<i32>} : memref<512xf32, #tpu.memory_space<vmem>>, vector<16xf32>,
    %get3A_482 = vector.shape_cast %get3A_481 : vector<16xf32> to vector<16xf32>
    %add3A_483 = arith.addf %add3A_479, %get3A_482 : vector<16xf32>
    %swap3A_484 = arith.constant 464 : index
    %swap3A_485 = tpu.vector_load %arg15[%swap3A_484] {strides = array<i32>} : memref<512xf32, #tpu.memory_space<vmem>>, vector<16xf32>,
    %swap3A_486 = vector.shape_cast %swap3A_485 : vector<16xf32> to vector<16xf32>
    %swap3A_487 = vector.shape_cast %add3A_483 : vector<16xf32> to vector<16xf32>
    tpu.vector_store %arg15[%swap3A_484], %swap3A_487 {strides = array<i32>} : memref<512xf32, #tpu.memory_space<vmem>>, vector<16xf32>,
    %get3A_488 = arith.constant 480 : index
    %get3A_489 = tpu.vector_load %arg11[%get3A_488] {strides = array<i32>} : memref<512xf32, #tpu.memory_space<vmem>>, vector<16xf32>,
    %get3A_490 = vector.shape_cast %get3A_489 : vector<16xf32> to vector<16xf32>
    %mul3A_491 = arith.mulf %get3A_490, %get3A_8 : vector<16xf32>
    %get3A_492 = arith.constant 480 : index
    %get3A_493 = tpu.vector_load %arg12[%get3A_492] {strides = array<i32>} : memref<512xf32, #tpu.memory_space<vmem>>, vector<16xf32>,
    %get3A_494 = vector.shape_cast %get3A_493 : vector<16xf32> to vector<16xf32>
    %add3A_495 = arith.addf %mul3A_491, %get3A_494 : vector<16xf32>
    %get3A_496 = arith.constant 480 : index
    %get3A_497 = tpu.vector_load %arg13[%get3A_496] {strides = array<i32>} : memref<512xf32, #tpu.memory_space<vmem>>, vector<16xf32>,
    %get3A_498 = vector.shape_cast %get3A_497 : vector<16xf32> to vector<16xf32>
    %add3A_499 = arith.addf %add3A_495, %get3A_498 : vector<16xf32>
    %swap3A_500 = arith.constant 480 : index
    %swap3A_501 = tpu.vector_load %arg15[%swap3A_500] {strides = array<i32>} : memref<512xf32, #tpu.memory_space<vmem>>, vector<16xf32>,
    %swap3A_502 = vector.shape_cast %swap3A_501 : vector<16xf32> to vector<16xf32>
    %swap3A_503 = vector.shape_cast %add3A_499 : vector<16xf32> to vector<16xf32>
    tpu.vector_store %arg15[%swap3A_500], %swap3A_503 {strides = array<i32>} : memref<512xf32, #tpu.memory_space<vmem>>, vector<16xf32>,
    %get3A_504 = arith.constant 496 : index
    %get3A_505 = tpu.vector_load %arg11[%get3A_504] {strides = array<i32>} : memref<512xf32, #tpu.memory_space<vmem>>, vector<16xf32>,
    %get3A_506 = vector.shape_cast %get3A_505 : vector<16xf32> to vector<16xf32>
    %mul3A_507 = arith.mulf %get3A_506, %get3A_8 : vector<16xf32>
    %get3A_508 = arith.constant 496 : index
    %get3A_509 = tpu.vector_load %arg12[%get3A_508] {strides = array<i32>} : memref<512xf32, #tpu.memory_space<vmem>>, vector<16xf32>,
    %get3A_510 = vector.shape_cast %get3A_509 : vector<16xf32> to vector<16xf32>
    %add3A_511 = arith.addf %mul3A_507, %get3A_510 : vector<16xf32>
    %get3A_512 = arith.constant 496 : index
    %get3A_513 = tpu.vector_load %arg13[%get3A_512] {strides = array<i32>} : memref<512xf32, #tpu.memory_space<vmem>>, vector<16xf32>,
    %get3A_514 = vector.shape_cast %get3A_513 : vector<16xf32> to vector<16xf32>
    %add3A_515 = arith.addf %add3A_511, %get3A_514 : vector<16xf32>
    %swap3A_516 = arith.constant 496 : index
    %swap3A_517 = tpu.vector_load %arg15[%swap3A_516] {strides = array<i32>} : memref<512xf32, #tpu.memory_space<vmem>>, vector<16xf32>,
    %swap3A_518 = vector.shape_cast %swap3A_517 : vector<16xf32> to vector<16xf32>
    %swap3A_519 = vector.shape_cast %add3A_515 : vector<16xf32> to vector<16xf32>
    tpu.vector_store %arg15[%swap3A_516], %swap3A_519 {strides = array<i32>} : memref<512xf32, #tpu.memory_space<vmem>>, vector<16xf32>,
    "tpu.region"() ({
      %run_scoped3A = tpu.sem_alloc : memref<!tpu.dma_semaphore, #tpu.memory_space<semaphore_mem>>
      %dma_start3A_520 = arith.constant 0 : i32
      %dma_start3A_521 = tpu.memref_slice %arg8[%add3A, %dma_start3A_520] : memref<32x512xf32, #tpu.memory_space<hbm>> -> memref<1x512xf32, #tpu.memory_space<hbm>>
      %dma_start3A_522 = tpu.memref_squeeze %dma_start3A_521 : memref<1x512xf32, #tpu.memory_space<hbm>> -> memref<512xf32, #tpu.memory_space<hbm>>
      %dma_start3A_523 = arith.constant 0 : i32
      %dma_start3A_524 = tpu.memref_slice %arg8[%add3A, %dma_start3A_523] : memref<32x512xf32, #tpu.memory_space<hbm>> -> memref<1x512xf32, #tpu.memory_space<hbm>>
      %dma_start3A_525 = tpu.memref_squeeze %dma_start3A_524 : memref<1x512xf32, #tpu.memory_space<hbm>> -> memref<512xf32, #tpu.memory_space<hbm>>
      tpu.enqueue_dma source(%arg15 : memref<512xf32, #tpu.memory_space<vmem>>) target(%dma_start3A_525 : memref<512xf32, #tpu.memory_space<hbm>>) target_semaphore(%run_scoped3A : memref<!tpu.dma_semaphore, #tpu.memory_space<semaphore_mem>>)
      %dma_wait3A_526 = arith.constant 0 : i32
      %dma_wait3A_527 = tpu.memref_slice %arg8[%add3A, %dma_wait3A_526] : memref<32x512xf32, #tpu.memory_space<hbm>> -> memref<1x512xf32, #tpu.memory_space<hbm>>
      %dma_wait3A_528 = tpu.memref_squeeze %dma_wait3A_527 : memref<1x512xf32, #tpu.memory_space<hbm>> -> memref<512xf32, #tpu.memory_space<hbm>>
      %dma_wait3A_529 = arith.constant 0 : i32
      %dma_wait3A_530 = tpu.memref_slice %arg8[%add3A, %dma_wait3A_529] : memref<32x512xf32, #tpu.memory_space<hbm>> -> memref<1x512xf32, #tpu.memory_space<hbm>>
      %dma_wait3A_531 = tpu.memref_squeeze %dma_wait3A_530 : memref<1x512xf32, #tpu.memory_space<hbm>> -> memref<512xf32, #tpu.memory_space<hbm>>
      tpu.wait_dma2 semaphore(%run_scoped3A : memref<!tpu.dma_semaphore, #tpu.memory_space<semaphore_mem>>) src(%arg15 : memref<512xf32, #tpu.memory_space<vmem>>) dst(%dma_wait3A_531 : memref<512xf32, #tpu.memory_space<hbm>>)
      tpu.yield
    }) : () -> ()
    return
  }
}

</mosaic_0001>

<sc_bundles>
// kernel: _run.3.cloned.1.call-start
scs
__scs_entry_jumppad:
0x0: {  	(pc) =	sbr.rel $0x88, $3  }
0x1: {  	(tag) =	ssettag $0x0;
	lr =	simm.s32 $0x1  }
0x2: {  	[smem:$0x3F9B] =	sst lr;
	_ =	strace $0xD0000000  }
0x3: {  	_ = 	snop  }
0x4: {  	_ = 	snop  }
0x5: {  	_ = 	snop  }
0x6: {  	_ = 	snop  }
0x7: {  	_ = 	snop  }
__scs_overlays_trampoline_lowered:
0x8: {  	[smem:$0x3FAA] =	sst s0  }
0x9: {  	[smem:$0x3FAB] =	sst s1  }
0xa: {  	[smem:$0x3FAC] =	sst s2  }
0xb: {  	[smem:$0x3FAD] =	sst s3  }
0xc: {  	[smem:$0x3FAE] =	sst s4  }
0xd: {  	[smem:$0x3FAF] =	sst s5  }
0xe: {  	[smem:$0x3FB0] =	sst s6  }
0xf: {  	[smem:$0x3FB1] =	sst s7  }
0x10: {  	[smem:$0x3FB2] =	sst s8  }
0x11: {  	[smem:$0x3FB3] =	sst s9;
	s0 =	simm.s32 @!p0 $0x0  }
0x12: {  	s1 =	sld [smem:$0x3F99];
	s0 =	simm.s32 @p0 $0x1  }
0x13: {  	[smem:$0x3FB4] =	sst s0;
	s0 =	simm.s32 @!p1 $0x0  }
0x14: {  	s2 =	sld [smem:$0x3F98];
	s0 =	simm.s32 @p1 $0x1  }
0x15: {  	[smem:$0x3FB5] =	sst s0;
	s0 =	simm.s32 @!p2 $0x0  }
0x16: {  	s3 =	sld [smem:$0x3FDB];
	s0 =	simm.s32 @p2 $0x1  }
0x17: {  	s4 =	simm.s32 $0x1BF5;
	[smem:$0x3FB7] =	sst s0  }
0x18: {  	s0 =	sld [smem:$0x3F9A];
	_ =	swait.ge [sflag:s4], $0x0  }
0x19: {  	s7 =	sld [smem:$0x3F9B]  }
0x1a: {  	s8 =	sadd.s32 $0xFFFFE003, lr  }
0x1b: {  	s9 =	sadd.s32 $0xFFFFFEF7, lr;
	s5 =	simm.s32 $0xFFFFFFFF;
	p2 =	slt.u32 s8, $0xFFFFF086  }
0x1c: {  	p1 =	slt.u32 s9, $0xF7A;
	s5 =	simm.s32 @!p2 $0x0  }
0x1d: {  	s5 =	simm.s32 @p1 $0x1;
	p0 =	seq.s32 s7, s2  }
0x1e: {  	s7 =	smul.u32 @!p0 $0xF7A, s2;
	p2 =	seq.s32 @!p0 s5, $0x0  }
0x1f: {  	s9 =	smul.u32 $0xF7A, s1;
	s8 =	simm.s32 @!p0 $0x1BF5;
	p2 =	por !p2, p0  }
0x20: {  	[sflag:s8] =	ssyncset.s32 @!p0 $0xFFFFF086;
	s6 =	sadd.s32 @!p0 s3, s7;
	s7 =	simm.s32 @!p0 $0x108  }
0x21: {  	s3 =	sadd.s32 s3, s9;
	s6 =	sadd.s32 @!p0 $0x88, s6;
	s7 =	simm.s32 @p2 $0x1082  }
0x22: {  	[simem:s7], [sflag:s8] =	dma.local @!p0 [hbm:s6], $0xF7A  }
0x23: {  	s9 =	sor.u32 $0xD0000000, s2;
	s6 =	simm.s32 $0x108;
	_ =	swait.ge @!p0 [sflag:s8], $0x0  }
0x24: {  	s3 =	sadd.s32 $0x88, s3;
	s6 =	simm.s32 @!p1 $0x1082;
	[sflag:s4] =	ssyncset.s32 $0xFFFFF086  }
0x25: {  	[simem:s6], [sflag:s4] =	dma.local [hbm:s3], $0xF7A  }
0x26: {  	[smem:$0x3F9B] =	sst s1;
	(tag) =	ssettag s2;
	_ =	strace s9  }
0x27: {  	s1 =	sld [smem:$0x3FAB]  }
0x28: {  	s2 =	sld [smem:$0x3FAC]  }
0x29: {  	s4 =	sld [smem:$0x3FAE]  }
0x2a: {  	p0 =	seq.s32 s5, $0x0;
	s5 =	sld [smem:$0x3FAF]  }
0x2b: {  	s6 =	sld [smem:$0x3FB0]  }
0x2c: {  	s7 =	sld [smem:$0x3FB1]  }
0x2d: {  	s3 =	simm.s32 $0x108;
	s8 =	sld [smem:$0x3FB2]  }
0x2e: {  	s3 =	simm.s32 @!p0 $0x1082;
	s9 =	sld [smem:$0x3FB3]  }
0x2f: {  	lr =	sadd.s32 s0, s3;
	s0 =	sld [smem:$0x3FAA]  }
0x30: {  	s3 =	sld [smem:$0x3FAD]  }
0x31: {  	[smem:$0x3FB6] =	sst s10  }
0x32: {  	s10 =	sld [smem:$0x3FB4];
	_ =	sdelay $0x3  }
0x33: {  	p0 =	seq.s32 s10, $0x1;
	s10 =	sld [smem:$0x3FB6];
	_ =	sdelay $0x3  }
0x34: {  	[smem:$0x3FB6] =	sst s10  }
0x35: {  	s10 =	sld [smem:$0x3FB5];
	_ =	sdelay $0x3  }
0x36: {  	p1 =	seq.s32 s10, $0x1;
	s10 =	sld [smem:$0x3FB6];
	_ =	sdelay $0x3  }
0x37: {  	[smem:$0x3FB6] =	sst s10  }
0x38: {  	s10 =	sld [smem:$0x3FB7]  }
0x39: {  	_ = 	snop;
	(pc) =	sbr.ind lr, $3  }
0x3a: {  	_ = 	snop  }
0x3b: {  	_ = 	snop  }
0x3c: {  	p2 =	seq.s32 s10, $0x1;
	s10 =	sld [smem:$0x3FB6]  }
0x3d: {  	_ =	shalt  }
0x3e: {  	_ =	shalt  }
0x3f: {  	_ =	shalt  }
0x40: {  	_ =	shalt  }
0x41: {  	_ =	shalt  }
0x42: {  	_ =	shalt  }
0x43: {  	_ =	shalt  }
0x44: {  	_ =	shalt  }
0x45: {  	_ =	shalt  }
0x46: {  	_ =	shalt  }
0x47: {  	_ =	shalt  }
0x48: {  	_ =	shalt  }
0x49: {  	_ =	shalt  }
0x4a: {  	_ =	shalt  }
0x4b: {  	_ =	shalt  }
0x4c: {  	_ =	shalt  }
0x4d: {  	_ =	shalt  }
0x4e: {  	_ =	shalt  }
0x4f: {  	_ =	shalt  }
0x50: {  	_ =	shalt  }
0x51: {  	_ =	shalt  }
0x52: {  	_ =	shalt  }
0x53: {  	_ =	shalt  }
0x54: {  	_ =	shalt  }
0x55: {  	_ =	shalt  }
0x56: {  	_ =	shalt  }
0x57: {  	_ =	shalt  }
0x58: {  	_ =	shalt  }
0x59: {  	_ =	shalt  }
0x5a: {  	_ =	shalt  }
0x5b: {  	_ =	shalt  }
0x5c: {  	_ =	shalt  }
0x5d: {  	_ =	shalt  }
0x5e: {  	_ =	shalt  }
0x5f: {  	_ =	shalt  }
0x60: {  	_ =	shalt  }
0x61: {  	_ =	shalt  }
0x62: {  	_ =	shalt  }
0x63: {  	_ =	shalt  }
0x64: {  	_ =	shalt  }
0x65: {  	_ =	shalt  }
0x66: {  	_ =	shalt  }
0x67: {  	_ =	shalt  }
0x68: {  	_ =	shalt  }
0x69: {  	_ =	shalt  }
0x6a: {  	_ =	shalt  }
0x6b: {  	_ =	shalt  }
0x6c: {  	_ =	shalt  }
0x6d: {  	_ =	shalt  }
0x6e: {  	_ =	shalt  }
0x6f: {  	_ =	shalt  }
0x70: {  	_ =	shalt  }
0x71: {  	_ =	shalt  }
0x72: {  	_ =	shalt  }
0x73: {  	_ =	shalt  }
0x74: {  	_ =	shalt  }
0x75: {  	_ =	shalt  }
0x76: {  	_ =	shalt  }
0x77: {  	_ =	shalt  }
0x78: {  	_ =	shalt  }
0x79: {  	_ =	shalt  }
0x7a: {  	_ =	shalt  }
0x7b: {  	_ =	shalt  }
0x7c: {  	_ =	shalt  }
0x7d: {  	_ =	shalt  }
0x7e: {  	_ =	shalt  }
0x7f: {  	_ =	shalt  }
0x80: {  	_ =	shalt  }
0x81: {  	_ =	shalt  }
0x82: {  	_ =	shalt  }
0x83: {  	_ =	shalt  }
0x84: {  	_ =	shalt  }
0x85: {  	_ =	shalt  }
0x86: {  	_ =	shalt  }
0x87: {  	_ =	shalt  }
.Lfunc_end0:
.L_simem_size_0:
called_computation_lowered:
.L_overlay_start_0:
0x88: {  	s2 =	sld [smem:$0x3FD9]  }
0x89: {  	s3 =	sld [smem:$0x3FFE];
	_ =	sdelay $0x1  }
0x8a: {  	s1 =	srdreg.scid  }
0x8b: {  	s0 =	sand.u32 $0x1, s1  }
0x8c: {  	s18 =	sshll.u32 s0, $0xA;
	s2 =	sadd.s32 s3, s2  }
0x8d: {  	s2 =	sadd.s32 s2, s18  }
0x8e: {  	[smem:$0x3FC2] =	sst s2  }
0x8f: {  	_ = 	snop  }
0x90: {  	s2 =	sld [smem:$0x3FC9]  }
0x91: {  	s19 =	sld [smem:$0x3FC8]  }
0x92: {  	s4 =	sld [smem:$0x3FC7]  }
0x93: {  	s5 =	sld [smem:$0x3FC6]  }
0x94: {  	s6 =	sld [smem:$0x3FC5]  }
0x95: {  	s7 =	sld [smem:$0x3FC4]  }
0x96: {  	s8 =	sld [smem:$0x3FD0];
	(tm) =	ssettm $0x1  }
0x97: {  	s9 =	sld [smem:$0x3FFB];
	_ =	sdelay $0x3  }
0x98: {  	_ =	strace s9  }
0x99: {  	s9 =	sld [smem:$0x3FFC];
	_ =	sdelay $0x3  }
0x9a: {  	_ =	strace s9  }
0x9b: {  	s9 =	sld [smem:$0x3FFD];
	_ =	sdelay $0x3  }
0x9c: {  	_ =	strace s9  }
0x9d: {  	_ =	strace $0x8FFFFFFF  }
0x9e: {  	s20 =	sld [smem:$0x3FDB];
	_ =	sdelay $0x1  }
0x9f: {  	s10 =	simm.s32 $_scs_section_size  }
0xa0: {  	s11 =	simm.s32 $_size__tile_overlayer_lowered;
	s12 =	simm.s32 $_tile_overlayer_lowered  }
0xa1: {  	s23 =	simm.s32 $0x1BFF;
	s22 =	sshll.u32 s12, $0x1;
	s9 =	sadd.s32 s10, s20  }
0xa2: {  	s13 =	simm.s32 $0x0;
	s21 =	sshll.u32 s11, $0x1;
	s11 =	sadd.s32 s22, s9  }
0xa3: {  	[timem:s13], [sflag:s23] =	dma.local [hbm:s11], s21  }
0xa4: {  	_ =	swait.ge [sflag:s23], s21  }
0xa5: {  	s10 =	ssub.s32 $0x0, s21;
	[sflag:s23] =	ssyncset.done $0x0  }
0xa6: {  	[sflag:s23] =	ssyncadd.s32 s10;
	_ =	sdelay $0x1  }
0xa7: {  	s24 =	simm.s32 $0x1B8B  }
0xa8: {  	_ =	swait.ge [sflag:s24], $0x1  }
0xa9: {  	[sflag:s24] =	ssyncset.done $0x0  }
0xaa: {  	s25 =	simm.s32 $0x1B8E;
	[sflag:s24] =	ssyncadd.s32 $0xFFFFFFFF  }
0xab: {  	s26 =	simm.s32 $execute0_lowered;
	[smem:$0x3FD2] =	sst s25  }
0xac: {  	s10 =	sshll.u32 s26, $0x1;
	_ =	strace $0x80000046;
	[dreg:$0x1] =	wrdreg $0xFFFFFFFF  }
0xad: {  	s28 =	simm.s32 $_size_execute0_lowered;
	s9 =	sadd.s32 s9, s10;
	[dreg:$0x0] =	wrdreg $0x0  }
0xae: {  	s10 =	sshll.u32 s28, $0x1;
	[dreg:$0x2] =	wrdreg s9  }
0xaf: {  	[dreg:$0x3] =	wrdreg s10  }
0xb0: {  	[dreg:$0x4] =	wrdreg $0xC0  }
0xb1: {  	_ =	task [dreg:s13], $0x5FFFF  }
0xb2: {  	[dreg:$0x1] =	wrdreg $0xFFFFFFFF  }
0xb3: {  	[dreg:$0x0] =	wrdreg $0x60  }
0xb4: {  	[dreg:$0x2] =	wrdreg s2  }
0xb5: {  	[dreg:$0x3] =	wrdreg s19  }
0xb6: {  	[dreg:$0x4] =	wrdreg s4  }
0xb7: {  	[dreg:$0x5] =	wrdreg s5  }
0xb8: {  	[dreg:$0x6] =	wrdreg s6  }
0xb9: {  	[dreg:$0x7] =	wrdreg s7  }
0xba: {  	[dreg:$0x8] =	wrdreg s8  }
0xbb: {  	[dreg:$0x9] =	wrdreg $0x9  }
0xbc: {  	_ =	task.clear_ibuf [dreg:s13], $0xAFFFF;
	_ =	strace $0x90000046  }
0xbd: {  	s29 =	simm.s32 $0x9;
	_ =	strace $0x80000048  }
0xbe: {  	_ =	swait.ge [sflag:s29], $0x1  }
0xbf: {  	[sflag:s29] =	ssyncadd.s32 $0xFFFFFFFF  }
0xc0: {  	_ =	strace $0x90000048  }
0xc1: {  	_ =	sfence  }
0xc2: {  	s30 =	sld [smem:$0x0];
	_ =	sdelay $0x2  }
0xc3: {  	s31 =	sshll.u32 s1, $0xD;
	s1 =	sshrl.u32 s1, $0x2  }
0xc4: {  	s3 =	sand.u32 $0x4000, s31;
	s1 =	sadd.s32 s1, s30  }
0xc5: {  	s0 =	sor.u32 s3, s0;
	s1 =	sshll.u32 s1, $0x11  }
0xc6: {  	s0 =	sor.u32 s1, s0  }
0xc7: {  	s0 =	sadd.s32 $0x8F2B, s0  }
0xc8: {  	[sflag:s0] =	ssyncadd.remote.s32 $0x1  }
0xc9: {  	_ =	sfence.sel $0xFFFF  }
0xca: {  	[dreg:$0x0] =	wrdreg $0xFFFFFFFF;
	(pc) =	sbr.abs _section_cstart, $3  }
0xcb: {  	[dreg:$0x1] =	wrdreg $0xFFFFFFFF  }
0xcc: {  	_ =	task.clear_ibuf [dreg:s13], $0x2FFFF;
	_ =	strace $0x9FFFFFFF  }
0xcd: {  	(tm) =	ssettm $0x7FFFFFFF  }
tec
execute0_lowered:
.L_overlay_start_1:
0x0: {  	(tag) =	ssettag $0x1  }
0x1: {  	s6 =	rddreg [dreg:$0x0]  }
0x2: {  	s7 =	rddreg [dreg:$0x1]  }
0x3: {  	s8 =	rddreg [dreg:$0x2]  }
0x4: {  	s1 =	rddreg [dreg:$0x3]  }
0x5: {  	s2 =	rddreg [dreg:$0x4]  }
0x6: {  	s3 =	rddreg [dreg:$0x5]  }
0x7: {  	s9 =	rddreg [dreg:$0x6]  }
0x8: {  	s0 =	rddreg [dreg:$0x7]  }
0x9: {  	s5 =	simm.s32 $0x0;
	s10 =	srdreg.scid;
	s4 =	stileid.u32  }
0xa: {  	s14 =	simm.s32 $0x200;
	s15 =	simm.s32 $0x600;
	s16 =	simm.s32 $0x800  }
0xb: {  	s17 =	simm.s32 $0xA00;
	s18 =	simm.s32 $0x1;
	s19 =	simm.s32 $0xA80  }
0xc: {  	[smem:$0x7FF] =	sst s5;
	s10 =	sand.u32 $0x1, s10;
	s11 =	sshll.u32 s4, $0x5  }
0xd: {  	s12 =	sshll.u32 s4, $0x7;
	s13 =	sshll.u32 s10, $0x4;
	s11 =	sand.u32 $0x60, s11  }
0xe: {  	s10 =	ssub.s32 $0x2, s10;
	s12 =	sand.u32 $0x600, s12;
	_ =	strace $0x80000047  }
0xf: {  	s11 =	sor.u32 s13, s11;
	s31 =	sshrl.u32 s10, $0x1;
	s13 =	simm.s32 $0x2  }
0x10: {  	s11 =	sor.u32 s12, s11;
	s10 =	ssub.s32 s10, s31;
	s12 =	simm.s32 $0x400  }
0x11: {  	s6 =	sadd.s32 s6, s11;
	s7 =	sadd.s32 s7, s11;
	s8 =	sadd.s32 s8, s11  }
0x12: {  	s9 =	sadd.s32 s9, s11;
	s10 =	smax.u32 s10, $0x1;
	s11 =	simm.s32 $0x80  }
.LBB2_1:
0x13: {  	[tilespmem:s5], [sflag:$0x2] =	stream.strided.gather [hbm4b:s6+s11], $0x200, s12, s11, $0x38;
	[tilespmem:$0xC80] =	vst v63  }
0x14: {  	_ =	swait.ge [sflag:s13], $0x200  }
0x15: {  	[sflag:s13] =	ssyncset.done $0x0  }
0x16: {  	[sflag:s13] =	ssyncadd.s32 $0xFFFFFE00  }
0x17: {  	[tilespmem:s14], [sflag:$0x2] =	stream.strided.gather [hbm4b:s7+s11], $0x200, s12, s11, $0x38;
	[tilespmem:$0xC80] =	vst v63  }
0x18: {  	_ =	swait.ge [sflag:s13], $0x200  }
0x19: {  	[sflag:s13] =	ssyncset.done $0x0  }
0x1a: {  	[sflag:s13] =	ssyncadd.s32 $0xFFFFFE00  }
0x1b: {  	[tilespmem:s15], [sflag:$0x1] =	stream.indirect.gather [hbm4b:s1+s14], $0x1, s5, s14, $0xb8;
	[tilespmem:$0xC80] =	vst v63  }
0x1c: {  	_ = 	snop  }
0x1d: {  	[tilespmem:s16], [sflag:$0x1] =	stream.indirect.gather [hbm4b:s2+s14], $0x1, s14, s14, $0xb8;
	[tilespmem:$0xC80] =	vst v63  }
0x1e: {  	_ = 	snop  }
0x1f: {  	[tilespmem:s12], [sflag:$0x2] =	stream.strided.gather [hbm4b:s8+s11], $0x200, s12, s11, $0x38;
	[tilespmem:$0xC80] =	vst v63  }
0x20: {  	_ =	swait.ge [sflag:s13], $0x200  }
0x21: {  	[sflag:s13] =	ssyncset.done $0x0  }
0x22: {  	[sflag:s13] =	ssyncadd.s32 $0xFFFFFE00  }
0x23: {  	[tilespmem:s17], [sflag:$0x2] =	stream.linear.gather [hbm4b:s3+s5], $0x80, $0x38;
	[tilespmem:$0xC80] =	vst v63  }
0x24: {  	_ =	swait.ge [sflag:s13], $0x80  }
0x25: {  	[sflag:s13] =	ssyncset.done $0x0  }
0x26: {  	[sflag:s13] =	ssyncadd.s32 $0xFFFFFF80  }
0x27: {  	_ =	swait.ge [sflag:s18], $0x200  }
0x28: {  	[sflag:s18] =	ssyncset.done $0x0  }
0x29: {  	[sflag:s18] =	ssyncadd.s32 $0xFFFFFE00  }
0x2a: {  	_ =	swait.ge [sflag:s18], $0x200  }
0x2b: {  	[sflag:s18] =	ssyncset.done $0x0  }
0x2c: {  	[sflag:s18] =	ssyncadd.s32 $0xFFFFFE00  }
0x2d: {  	v0 =	vld [tilespmem:$0xA00]  }
0x2e: {  	v1 =	vld [tilespmem:$0x400]  }
0x2f: {  	v2 =	vld [tilespmem:$0x600]  }
0x30: {  	v3 =	vld [tilespmem:$0x800]  }
0x31: {  	v4 =	vld [tilespmem:$0x410]  }
0x32: {  	v5 =	vld [tilespmem:$0x610]  }
0x33: {  	v6 =	vld [tilespmem:$0x810]  }
0x34: {  	v7 =	vld [tilespmem:$0x420]  }
0x35: {  	v8 =	vld [tilespmem:$0x620]  }
0x36: {  	v9 =	vld [tilespmem:$0x820]  }
0x37: {  	v10 =	vld [tilespmem:$0x430]  }
0x38: {  	v11 =	vld [tilespmem:$0x630]  }
0x39: {  	v12 =	vld [tilespmem:$0x830]  }
0x3a: {  	v13 =	vld [tilespmem:$0x440]  }
0x3b: {  	v14 =	vld [tilespmem:$0x640]  }
0x3c: {  	v15 =	vld [tilespmem:$0x840]  }
0x3d: {  	v16 =	vld [tilespmem:$0x450]  }
0x3e: {  	v17 =	vld [tilespmem:$0x650]  }
0x3f: {  	v18 =	vld [tilespmem:$0x850]  }
0x40: {  	v19 =	vld [tilespmem:$0x460]  }
0x41: {  	v20 =	vld [tilespmem:$0x660]  }
0x42: {  	v21 =	vld [tilespmem:$0x860]  }
0x43: {  	v22 =	vld [tilespmem:$0x470]  }
0x44: {  	v23 =	vld [tilespmem:$0x670]  }
0x45: {  	v24 =	vld [tilespmem:$0x870]  }
0x46: {  	v25 =	vld [tilespmem:$0x480]  }
0x47: {  	v26 =	vld [tilespmem:$0x680]  }
0x48: {  	v27 =	vld [tilespmem:$0x880]  }
0x49: {  	v28 =	vld [tilespmem:$0x490]  }
0x4a: {  	v29 =	vld [tilespmem:$0x690]  }
0x4b: {  	v30 =	vld [tilespmem:$0x890]  }
0x4c: {  	v31 =	vld [tilespmem:$0x4A0]  }
0x4d: {  	v32 =	vld [tilespmem:$0x6A0]  }
0x4e: {  	v33 =	vld [tilespmem:$0x8A0]  }
0x4f: {  	v34 =	vld [tilespmem:$0x4B0]  }
0x50: {  	v35 =	vld [tilespmem:$0x6B0]  }
0x51: {  	v36 =	vld [tilespmem:$0x8B0]  }
0x52: {  	v37 =	vld [tilespmem:$0x4C0]  }
0x53: {  	v38 =	vld [tilespmem:$0x6C0]  }
0x54: {  	v39 =	vld [tilespmem:$0x8C0]  }
0x55: {  	v40 =	vld [tilespmem:$0x4D0]  }
0x56: {  	v41 =	vld [tilespmem:$0x6D0]  }
0x57: {  	v42 =	vld [tilespmem:$0x8D0]  }
0x58: {  	v43 =	vld [tilespmem:$0x4E0]  }
0x59: {  	v44 =	vld [tilespmem:$0x6E0]  }
0x5a: {  	v51 =	vld [tilespmem:$0x8E0]  }
0x5b: {  	v46 =	vld [tilespmem:$0x4F0]  }
0x5c: {  	v47 =	vld [tilespmem:$0x6F0]  }
0x5d: {  	v54 =	vld [tilespmem:$0x8F0]  }
0x5e: {  	v49 =	vld [tilespmem:$0x500]  }
0x5f: {  	v50 =	vld [tilespmem:$0x700]  }
0x60: {  	v57 =	vld [tilespmem:$0x900]  }
0x61: {  	v52 =	vld [tilespmem:$0x510]  }
0x62: {  	v53 =	vld [tilespmem:$0x710]  }
0x63: {  	v63 =	vld [tilespmem:$0x910]  }
0x64: {  	v55 =	vld [tilespmem:$0x520]  }
0x65: {  	v56 =	vld [tilespmem:$0x720]  }
0x66: {  	v45 =	vld [tilespmem:$0x920]  }
0x67: {  	v58 =	vld [tilespmem:$0x530]  }
0x68: {  	v59 =	vld [tilespmem:$0x730]  }
0x69: {  	v60 =	vld [tilespmem:$0x940]  }
0x6a: {  	v48 =	vld [tilespmem:$0x930]  }
0x6b: {  	v61 =	vld [tilespmem:$0x540]  }
0x6c: {  	v62 =	vld [tilespmem:$0x740]  }
0x6d: {  	[tilespmem:$0x1FFC0] =	vst v45;
	v45 =	vld [tilespmem:$0x550]  }
0x6e: {  	[tilespmem:$0x1FFE0] =	vst v60;
	v60 =	vld [tilespmem:$0x750];
	v1 =	vmul.f32 v1, v0  }
0x6f: {  	[tilespmem:$0x1FFD0] =	vst v48;
	v48 =	vld [tilespmem:$0x950];
	v4 =	vmul.f32 v4, v0  }
0x70: {  	v1 =	vadd.f32 v2, v1;
	v2 =	vmul.f32 v7, v0;
	v7 =	vld [tilespmem:$0x760]  }
0x71: {  	v4 =	vadd.f32 v5, v4;
	v5 =	vmul.f32 v10, v0;
	v10 =	vld [tilespmem:$0x960]  }
0x72: {  	v2 =	vadd.f32 v8, v2;
	v8 =	vld [tilespmem:$0x570]  }
0x73: {  	v1 =	vadd.f32 v3, v1;
	v5 =	vadd.f32 v11, v5;
	v11 =	vld [tilespmem:$0x770]  }
0x74: {  	v4 =	vadd.f32 v6, v4;
	[tilespmem:$0x1FFF0] =	vst v48;
	v48 =	vld [tilespmem:$0x560]  }
0x75: {  	v3 =	vmul.f32 v13, v0;
	v13 =	vmul.f32 v16, v0;
	[tilespmem:$0xA80] =	vst v1;
	v1 =	vadd.f32 v9, v2;
	v9 =	vld [tilespmem:$0x970]  }
0x76: {  	v16 =	vmul.f32 v19, v0;
	[tilespmem:$0xA90] =	vst v4;
	v4 =	vadd.f32 v12, v5;
	v12 =	vld [tilespmem:$0x580]  }
0x77: {  	v2 =	vadd.f32 v14, v3;
	v19 =	vadd.f32 v17, v13;
	v13 =	vld [tilespmem:$0x780]  }
0x78: {  	v22 =	vmul.f32 v22, v0;
	v16 =	vadd.f32 v20, v16;
	v14 =	vld [tilespmem:$0x980]  }
0x79: {  	v17 =	vmul.f32 v25, v0;
	[tilespmem:$0xAA0] =	vst v1;
	v1 =	vadd.f32 v15, v2;
	v15 =	vld [tilespmem:$0x590]  }
0x7a: {  	v22 =	vadd.f32 v23, v22;
	v23 =	vmul.f32 v28, v0;
	v25 =	vadd.f32 v21, v16;
	v16 =	vld [tilespmem:$0x790]  }
0x7b: {  	v19 =	vadd.f32 v18, v19;
	v28 =	vadd.f32 v26, v17;
	v17 =	vld [tilespmem:$0x990]  }
0x7c: {  	v20 =	vmul.f32 v31, v0;
	[tilespmem:$0xAB0] =	vst v4;
	v21 =	vadd.f32 v24, v22;
	v22 =	vadd.f32 v29, v23;
	v18 =	vld [tilespmem:$0x5A0]  }
0x7d: {  	v23 =	vmul.f32 v34, v0;
	v26 =	vmul.f32 v37, v0;
	[tilespmem:$0xAD0] =	vst v19;
	v24 =	vadd.f32 v27, v28;
	v19 =	vld [tilespmem:$0x7A0]  }
0x7e: {  	v29 =	vmul.f32 v40, v0;
	[tilespmem:$0xAE0] =	vst v25;
	v25 =	vadd.f32 v32, v20;
	v27 =	vadd.f32 v30, v22;
	v20 =	vld [tilespmem:$0x9A0]  }
0x7f: {  	[tilespmem:$0xAF0] =	vst v21;
	v28 =	vadd.f32 v35, v23;
	v31 =	vadd.f32 v38, v26;
	v32 =	vmul.f32 v43, v0;
	v21 =	vld [tilespmem:$0x5B0]  }
0x80: {  	[tilespmem:$0xAC0] =	vst v1;
	v34 =	vadd.f32 v41, v29;
	v35 =	vmul.f32 v46, v0;
	v22 =	vld [tilespmem:$0x7B0];
	v30 =	vadd.f32 v33, v25  }
0x81: {  	v38 =	vmul.f32 v49, v0;
	v23 =	vld [tilespmem:$0x9B0];
	[tilespmem:$0xB00] =	vst v24;
	v33 =	vadd.f32 v36, v28;
	v36 =	vadd.f32 v39, v31  }
0x82: {  	v41 =	vmul.f32 v52, v0;
	v26 =	vld [tilespmem:$0x9C0];
	[tilespmem:$0xB10] =	vst v27;
	v37 =	vadd.f32 v44, v32;
	v39 =	vadd.f32 v42, v34  }
0x83: {  	v49 =	vmul.f32 v58, v0;
	v29 =	vld [tilespmem:$0x7D0];
	v40 =	vadd.f32 v47, v35;
	v43 =	vadd.f32 v50, v38;
	[tilespmem:$0xB20] =	vst v30  }
0x84: {  	v44 =	vmul.f32 v55, v0;
	v47 =	vadd.f32 v53, v41;
	v50 =	vld [tilespmem:$0x5C0];
	v53 =	vmul.f32 v61, v0;
	[tilespmem:$0xB30] =	vst v33  }
0x85: {  	v25 =	vld [tilespmem:$0x7C0];
	v55 =	vadd.f32 v59, v49;
	v59 =	vmul.f32 v48, v0;
	[tilespmem:$0xB40] =	vst v36;
	v42 =	vadd.f32 v51, v37  }
0x86: {  	v61 =	vld [tilespmem:$0x5D0];
	v28 =	vmul.f32 v8, v0;
	[tilespmem:$0xB50] =	vst v39;
	v46 =	vadd.f32 v54, v40;
	v51 =	vadd.f32 v57, v43  }
0x87: {  	v32 =	vmul.f32 v12, v0;
	v34 =	vld [tilespmem:$0x1FFF0];
	v54 =	vadd.f32 v63, v47;
	v31 =	vadd.f32 v7, v59;
	[tilespmem:$0xB60] =	vst v42  }
0x88: {  	v41 =	vld [tilespmem:$0x5F0];
	v58 =	vadd.f32 v62, v53;
	v35 =	vadd.f32 v11, v28;
	v36 =	vmul.f32 v15, v0;
	[tilespmem:$0xB70] =	vst v46  }
0x89: {  	v57 =	vld [tilespmem:$0x1FFC0];
	v39 =	vadd.f32 v13, v32;
	v40 =	vmul.f32 v18, v0;
	[tilespmem:$0xB80] =	vst v51;
	v38 =	vadd.f32 v10, v31  }
0x8a: {  	v62 =	vld [tilespmem:$0x1FFD0];
	[tilespmem:$0xB90] =	vst v54;
	v42 =	vadd.f32 v9, v35;
	v43 =	vadd.f32 v16, v36  }
0x8b: {  	v30 =	vld [tilespmem:$0x1FFE0];
	v46 =	vadd.f32 v14, v39;
	v47 =	vadd.f32 v19, v40;
	[tilespmem:$0xBE0] =	vst v38  }
0x8c: {  	v52 =	vadd.f32 v56, v44;
	v37 =	vld [tilespmem:$0x5E0];
	v48 =	vmul.f32 v50, v0;
	[tilespmem:$0xBF0] =	vst v42;
	v50 =	vadd.f32 v17, v43  }
0x8d: {  	v49 =	vld [tilespmem:$0x7F0];
	v56 =	vmul.f32 v45, v0;
	[tilespmem:$0xC00] =	vst v46;
	v54 =	vadd.f32 v20, v47  }
0x8e: {  	v45 =	vld [tilespmem:$0x7E0];
	v44 =	vmul.f32 v21, v0;
	v1 =	vadd.f32 v57, v52;
	[tilespmem:$0xC10] =	vst v50  }
0x8f: {  	v33 =	vld [tilespmem:$0x9D0];
	v63 =	vadd.f32 v60, v56;
	v4 =	vadd.f32 v62, v55;
	[tilespmem:$0xC20] =	vst v54  }
0x90: {  	v53 =	vld [tilespmem:$0x9E0];
	v51 =	vadd.f32 v22, v44;
	v52 =	vmul.f32 v61, v0;
	[tilespmem:$0xBA0] =	vst v1;
	v1 =	vadd.f32 v30, v58  }
0x91: {  	v55 =	vadd.f32 v25, v48;
	v56 =	vmul.f32 v37, v0;
	v57 =	vld [tilespmem:$0x9F0];
	[tilespmem:$0xBB0] =	vst v4;
	v4 =	vadd.f32 v34, v63  }
0x92: {  	v0 =	vmul.f32 v41, v0;
	v58 =	vadd.f32 v23, v51;
	v59 =	vadd.f32 v29, v52;
	[tilespmem:$0xBC0] =	vst v1  }
0x93: {  	v60 =	vadd.f32 v26, v55;
	v61 =	vadd.f32 v45, v56;
	[tilespmem:$0xBD0] =	vst v4  }
0x94: {  	v0 =	vadd.f32 v49, v0;
	[tilespmem:$0xC30] =	vst v58;
	v62 =	vadd.f32 v33, v59  }
0x95: {  	[tilespmem:$0xC40] =	vst v60;
	v63 =	vadd.f32 v53, v61  }
0x96: {  	v0 =	vadd.f32 v57, v0;
	[tilespmem:$0xC50] =	vst v62  }
0x97: {  	p0 =	sne.s32 s10, $0x1;
	[tilespmem:$0xC60] =	vst v63  }
.Ltmp0:
0x98: {  	[tilespmem:$0xC70] =	vst v0;
	(pc) =	sbr.rel @p0 .LBB2_1-.Ltmp0, $4  }
0x99: {  	[hbm4b:s9+s11] =	stream.strided.scatter [tilespmem:s19], [sflag:$0x2], $0x200, s12, s11, $0x38;
	[tilespmem:$0xC80] =	vst v63  }
0x9a: {  	_ =	swait.ge [sflag:s13], $0x200  }
0x9b: {  	[sflag:s13] =	ssyncset.done $0x0  }
0x9c: {  	s10 =	sadd.s32 $0xFFFFFFFF, s10;
	[sflag:s13] =	ssyncadd.s32 $0xFFFFFE00  }
0x9d: {  	_ =	sfence.sel $0x180000  }
0x9e: {  	[bflag:$0x0] =	sbarrier.arrive $0xFFFF  }
0x9f: {  	p0 =	sne.s32 s4, $0x0;
	_ =	strace $0x90000047  }
0xa0: {  	s0 =	sadd.s32 @!p0 $0x100000, s0;
	[bflag:$0x2] =	sbarrier.arrive $0xFFFF  }
0xa1: {  	[sflag:s0] =	ssyncadd.tile.s32 @!p0 $0x1;
	_ =	shalt  }
.Lfunc_end2:
_tile_overlayer_lowered:
.L_overlay_start_2:
0xa2: {  	(tag) =	ssettag $0x2  }
0xa3: {  	s0 =	rddreg [dreg:$0x0];
	s2 =	stileid.u32  }
0xa4: {  	s1 =	rddreg [dreg:$0x1];
	p0 =	sne.s32 s2, $0x0  }
0xa5: {  	s3 =	rddreg [dreg:$0x2];
	[bflag:$0x3] =	sbarrier.arrive $0xFFFF;
	s2 =	simm.s32 @!p0 $0x1C02  }
0xa6: {  	[timem:s3], [sflag:s2] =	dma.local @!p0 [hbm:s0], s1  }
0xa7: {  	s0 =	simm.s32 @!p0 $0x2  }
0xa8: {  	_ =	swait.ge @!p0 [sflag:s0], s1  }
0xa9: {  	s1 =	ssub.s32 @!p0 $0x0, s1;
	[sflag:s0] =	ssyncset.done @!p0 $0x0  }
0xaa: {  	[sflag:s0] =	ssyncadd.s32 @!p0 s1  }
0xab: {  	[bflag:$0x3] =	sbarrier.arrive $0xFFFF  }
0xac: {  	_ =	shalt  }

</sc_bundles>
